<compile_context>
chip_gen: v7x
topology: tpu7x:2x2x1
jax: 0.10.2.dev20260603
libtpu: 0.0.44.dev20260713+nightly
codegen_flags: <defaults>
</compile_context>

<pallas_src>
import functools

import jax
import jax.numpy as jnp
from jax import lax
from jax.experimental import pallas as pl
from jax.experimental.pallas import tpu as pltpu
from jax.experimental.pallas import tpu_sc as plsc

_COH = 0.1
_LAM = 1.0


def _token_kernel(x_ref, w_ref, ut_ref, us_ref, st_ref,
                  out_ref, l2_ref, wn_ref, *, n_steps):
    T, Dd = x_ref.shape
    Mm = st_ref.shape[0]
    f32 = jnp.float32
    i = pl.program_id(0)

    @pl.when(i == 0)
    def _():
        W = w_ref[...]
        cn = jnp.sqrt(jnp.sum(W * W, axis=0, keepdims=True))
        wn_ref[...] = W / jnp.maximum(cn, 1e-12)

    Wn = wn_ref[...]
    x = x_ref[...]
    R = lax.dot_general(x, Wn, (((1,), (0,)), ((), ())),
                        preferred_element_type=f32)
    St = st_ref[...]
    l2 = lax.dot_general(R * R, St, (((1,), (1,)), ((), ())),
                         preferred_element_type=f32,
                         precision=lax.Precision.HIGHEST)
    l2_ref[...] = l2

    us = us_ref[...]
    sflat = jnp.tanh(us) * _LAM
    anynz = jnp.max(jnp.abs(sflat)) > 0.0

    @pl.when(anynz)
    def _():
        iota = lax.broadcasted_iota(jnp.int32, (T, Mm), 1)
        v1 = jnp.max(l2, axis=1, keepdims=True)
        i1 = jnp.min(jnp.where(l2 == v1, iota, Mm), axis=1, keepdims=True)
        m1 = iota == i1
        l2b = jnp.where(m1, -1.0, l2)
        v2 = jnp.max(l2b, axis=1, keepdims=True)
        i2 = jnp.min(jnp.where(l2b == v2, iota, Mm), axis=1, keepdims=True)
        M2 = (m1 | (iota == i2)).astype(f32)
        Ut = ut_ref[...]
        ones_r = jnp.ones((1, Dd), f32)
        rnsq = lax.dot_general(ones_r, Ut * Ut, (((1,), (1,)), ((), ())),
                               preferred_element_type=f32)
        sigma = sflat / jnp.maximum(jnp.sqrt(rnsq), 1e-12)
        gate = lax.dot_general(M2, St * sigma, (((1,), (0,)), ((), ())),
                               preferred_element_type=f32)
        writes = lax.dot_general(R * gate, Ut, (((1,), (0,)), ((), ())),
                                 preferred_element_type=f32)
        out_ref[...] = x + writes

    @pl.when(jnp.logical_not(anynz))
    def _():
        out_ref[...] = x


def _gram_kernel(w_ref, ur_ref, us_ref, st_ref, e16_ref, vp_ref, up_ref):
    Dd, MB = w_ref.shape
    f32 = jnp.float32
    W = w_ref[...]
    cn = jnp.sqrt(jnp.sum(W * W, axis=0, keepdims=True))
    Wn = W / jnp.maximum(cn, 1e-12)
    Wnh = Wn.astype(jnp.bfloat16)
    Gv = lax.dot_general(Wnh, Wnh, (((0,), (0,)), ((), ())),
                         preferred_element_type=f32)
    eye = (lax.broadcasted_iota(jnp.int32, (MB, MB), 0)
           == lax.broadcasted_iota(jnp.int32, (MB, MB), 1)).astype(f32)
    pen_scale = (Dd ** 0.5) / (MB * MB)
    vp_ref[...] = jnp.sum(jnp.abs(Gv - eye), axis=(0, 1), keepdims=True) * pen_scale

    us = us_ref[...]
    sflat = jnp.tanh(us) * _LAM
    anynz = jnp.max(jnp.abs(sflat)) > 0.0

    @pl.when(anynz)
    def _():
        Ur = ur_ref[...]
        St = st_ref[...]
        e16 = e16_ref[...]
        usq = Ur * Ur
        rnsq_mb = lax.dot_general(
            lax.dot_general(St, usq, (((1,), (0,)), ((), ())),
                            preferred_element_type=f32),
            e16, (((1,), (1,)), ((), ())), preferred_element_type=f32)
        sig_mat = (jnp.tanh(
            lax.dot_general(St * us, e16, (((1,), (1,)), ((), ())))) * _LAM
            / jnp.maximum(jnp.sqrt(rnsq_mb), 1e-12))
        sig_e = lax.dot_general(sig_mat, e16, (((1,), (0,)), ((), ())),
                                preferred_element_type=f32)
        F = lax.dot_general(St, sig_e, (((0,), (0,)), ((), ())),
                            preferred_element_type=f32)
        Ue = Ur * F
        Gu = lax.dot_general(Ue, Ue, (((0,), (0,)), ((), ())),
                             preferred_element_type=f32)
        up_ref[...] = jnp.sum(jnp.abs(Gu - eye), axis=(0, 1),
                              keepdims=True) * pen_scale

    @pl.when(jnp.logical_not(anynz))
    def _():
        up_ref[...] = jnp.sum(eye, axis=(0, 1), keepdims=True) * pen_scale


def _sc_stats(l2_hbm, en_out, sr_out, rel_out, te_out,
              l2_v, en_l, sr_l, acc_v, shared_en, shared_sr, red_v,
              *, n_tokens, n_experts):
    T, Mm = n_tokens, n_experts
    f32 = jnp.float32
    i32 = jnp.int32
    sid = lax.axis_index("s")
    tpw = T // 16
    n_groups = tpw // 16
    inv_n = 1.0 / T

    pltpu.sync_copy(l2_hbm.at[pl.ds(sid * (tpw * Mm), tpw * Mm)], l2_v)

    zeros16 = jnp.zeros((16,), f32)
    for c in range(Mm // 16):
        en_l[pl.ds(16 * c, 16)] = zeros16
        sr_l[pl.ds(16 * c, 16)] = zeros16

    lane = lax.iota(i32, 16)

    def group_body(g, _):
        base = (g * 16 + lane) * Mm

        def e_body(e, carry):
            b1, j1, b2, j2 = carry
            ev = jnp.full((16,), e, i32)
            v = plsc.load_gather(l2_v, [base + ev])
            gt1 = v > b1
            gt2 = jnp.logical_and(jnp.logical_not(gt1), v > b2)
            b2n = jnp.where(gt1, b1, jnp.where(gt2, v, b2))
            j2n = jnp.where(gt1, j1, jnp.where(gt2, ev, j2))
            b1n = jnp.where(gt1, v, b1)
            j1n = jnp.where(gt1, ev, j1)
            return (b1n, j1n, b2n, j2n)

        init = (jnp.full((16,), -1.0, f32), jnp.zeros((16,), i32),
                jnp.full((16,), -1.0, f32), jnp.zeros((16,), i32))
        b1, j1, b2, j2 = lax.fori_loop(0, Mm, e_body, init)
        ones = jnp.full((16,), inv_n, f32)
        plsc.addupdate_scatter(en_l, [j1], b1 * inv_n)
        plsc.addupdate_scatter(en_l, [j2], b2 * inv_n)
        plsc.addupdate_scatter(sr_l, [j1], ones)
        plsc.addupdate_scatter(sr_l, [j2], ones)
        return 0

    lax.fori_loop(0, n_groups, group_body, 0)

    pltpu.sync_copy(en_l, shared_en.at[pl.ds(sid * Mm, Mm)])
    pltpu.sync_copy(sr_l, shared_sr.at[pl.ds(sid * Mm, Mm)])
    plsc.subcore_barrier()

    @pl.when(sid == 0)
    def _():
        pltpu.sync_copy(shared_en, acc_v)
        tot = [jnp.zeros((16,), f32) for _ in range(Mm // 16)]
        for r in range(16):
            for c in range(Mm // 16):
                tot[c] = tot[c] + acc_v[pl.ds(r * Mm + 16 * c, 16)]
        for c in range(Mm // 16):
            red_v[pl.ds(16 * c, 16)] = tot[c]
        pltpu.sync_copy(red_v, en_out)
        s = tot[0]
        for c in range(1, Mm // 16):
            s = s + tot[c]
        te_v = jnp.maximum(jnp.full((16,), jnp.sum(s), f32),
                           jnp.full((16,), 1e-12, f32))
        red_v[pl.ds(0, 16)] = te_v
        pltpu.sync_copy(red_v.at[pl.ds(0, 16)], te_out)
        for c in range(Mm // 16):
            red_v[pl.ds(16 * c, 16)] = tot[c] / te_v
        pltpu.sync_copy(red_v, rel_out)
        pltpu.sync_copy(shared_sr, acc_v)
        tot = [jnp.zeros((16,), f32) for _ in range(Mm // 16)]
        for r in range(16):
            for c in range(Mm // 16):
                tot[c] = tot[c] + acc_v[pl.ds(r * Mm + 16 * c, 16)]
        for c in range(Mm // 16):
            red_v[pl.ds(16 * c, 16)] = tot[c]
        pltpu.sync_copy(red_v, sr_out)


def kernel(x, V, U, u_scales):
    _, T, Dd = x.shape
    Dv, Mm, Bb = V.shape
    MB = Mm * Bb
    f32 = jnp.float32

    x2 = x.reshape(T, Dd)
    W = V.reshape(Dv, MB)
    Ut = U.transpose(0, 2, 1).reshape(MB, Dd)
    Ur = U.reshape(MB, Dd)

    q = jnp.arange(MB, dtype=jnp.int32)
    St = (q[None, :] // Bb == jnp.arange(Mm, dtype=jnp.int32)[:, None]).astype(f32)
    E16 = (q[None, :] % Bb == jnp.arange(Bb, dtype=jnp.int32)[:, None]).astype(f32)
    us_flat = u_scales.reshape(1, MB)

    n_steps = 4
    tile = T // n_steps

    out2, l2 = pl.pallas_call(
        functools.partial(_token_kernel, n_steps=n_steps),
        grid=(n_steps,),
        in_specs=[
            pl.BlockSpec((tile, Dd), lambda i: (i, 0)),
            pl.BlockSpec((Dd, MB), lambda i: (0, 0)),
            pl.BlockSpec((MB, Dd), lambda i: (0, 0)),
            pl.BlockSpec((1, MB), lambda i: (0, 0)),
            pl.BlockSpec((Mm, MB), lambda i: (0, 0)),
        ],
        out_specs=[
            pl.BlockSpec((tile, Dd), lambda i: (i, 0)),
            pl.BlockSpec((tile, Mm), lambda i: (i, 0)),
        ],
        out_shape=(
            jax.ShapeDtypeStruct((T, Dd), f32),
            jax.ShapeDtypeStruct((T, Mm), f32),
        ),
        scratch_shapes=[pltpu.VMEM((Dv, MB), f32)],
    )(x2, W, Ut, us_flat, St)

    mesh = plsc.VectorSubcoreMesh(core_axis_name="c", subcore_axis_name="s",
                                  num_cores=1)
    sc = pl.kernel(
        functools.partial(_sc_stats, n_tokens=T, n_experts=Mm),
        mesh=mesh,
        compiler_params=pltpu.CompilerParams(needs_layout_passes=False),
        out_type=(
            jax.ShapeDtypeStruct((Mm,), f32),
            jax.ShapeDtypeStruct((Mm,), f32),
            jax.ShapeDtypeStruct((Mm,), f32),
            jax.ShapeDtypeStruct((16,), f32),
        ),
        scratch_types=[
            pltpu.VMEM(((T // 16) * Mm,), f32),
            pltpu.VMEM((Mm,), f32),
            pltpu.VMEM((Mm,), f32),
            pltpu.VMEM((16 * Mm,), f32),
            pltpu.VMEM_SHARED((16 * Mm,), f32),
            pltpu.VMEM_SHARED((16 * Mm,), f32),
            pltpu.VMEM((Mm,), f32),
        ],
    )
    en, sr, rel, te16 = sc(l2.reshape(T * Mm))

    vp, up = pl.pallas_call(
        _gram_kernel,
        out_shape=(
            jax.ShapeDtypeStruct((1, 1), f32),
            jax.ShapeDtypeStruct((1, 1), f32),
        ),
    )(W, Ur, us_flat, St, E16)

    te = te16[0].reshape(())
    vp_s = vp.reshape(())
    al = _COH * vp_s - te
    return (out2.reshape(x.shape), te, en, rel, sr, vp_s, up.reshape(()), al)

# --- scband reference (transcript-rebuilt; emitter-appended) ---
"""Pipeline reference for scband-sparse-expert-layer-66314295050802 (READ-ONLY COPY).

The authoritative reference and input builder live on the scoring server;
editing this copy changes nothing except your own understanding.
"""

import jax, jax.numpy as jnp
import numpy as np

D = 1024
M = 64
B = 16
K = 2
COHERENCE_COEFF = 0.1
LAMBDA_COEFF = 1.0


def _unit_col_norm(W, axis):
    n = jnp.sqrt(jnp.sum(W * W, axis=axis, keepdims=True))
    return W / jnp.maximum(n, 1e-12)


def setup_inputs(seed: int = 0) -> dict:
    key = jax.random.key(seed)
    k1, k2, k3 = jax.random.split(key, 3)
    x = jax.random.normal(k1, (1, 2048, D), dtype=jnp.float32)
    V = jax.random.normal(k2, (D, M, B), dtype=jnp.float32)
    U = jax.random.normal(k3, (M, D, B), dtype=jnp.float32)
    u_scales = jnp.zeros((M, B), dtype=jnp.float32)
    return {"x": x, "V": V, "U": U, "u_scales": u_scales}


def reference(x, V, U, u_scales):
    # parametrizations: unit column norm of V along dim 0, of U along dim 1
    Vn = _unit_col_norm(V, 0)
    Un = _unit_col_norm(U, 1)
    # U_eff
    s = jnp.tanh(u_scales) * LAMBDA_COEFF          # (m, b)
    U_eff = Un * s[:, None, :]                     # (m, D, b)
    # forward
    expert_reprs = jnp.einsum('...d,dmb->...mb', x, Vn)          # (..., m, b)
    repr_l2_sq = jnp.einsum('...mb,...mb->...m', expert_reprs, expert_reprs)
    topk_vals, topk_idxs = jax.lax.top_k(repr_l2_sq, K)          # (..., k)
    reprs_topk = jnp.take_along_axis(expert_reprs, topk_idxs[..., None], axis=-2)  # (..., k, b)
    U_active = U_eff[topk_idxs]                                  # (..., k, D, b)
    writes = jnp.einsum('...kdb,...kb->...d', U_active, reprs_topk)
    out = x + writes
    # aux terms
    N = max(topk_vals.size // topk_vals.shape[-1], 1)
    vals_flat = topk_vals.reshape(-1)
    idxs_flat = topk_idxs.reshape(-1).astype(jnp.int32)
    energy_per_expert = jnp.zeros((M,), dtype=topk_vals.dtype).at[idxs_flat].add(vals_flat) / N
    select_rate = jnp.zeros((M,), dtype=topk_vals.dtype).at[idxs_flat].add(jnp.ones_like(vals_flat)) / N
    total_energy = jnp.maximum(energy_per_expert.sum(), 1e-12)
    relative_energy = energy_per_expert / total_energy
    V_rs = Vn.reshape(D, M * B)
    U_rs = U_eff.reshape(D, M * B)
    I = jnp.eye(M * B, dtype=V_rs.dtype)

    def coherence_penalty(Mx):
        return jnp.abs(Mx.T @ Mx - I).mean() * (D ** 0.5)

    v_pen = coherence_penalty(V_rs)
    u_pen = coherence_penalty(U_rs)
    aux_loss = COHERENCE_COEFF * v_pen - total_energy
    return (out, total_energy, energy_per_expert, relative_energy, select_rate, v_pen, u_pen, aux_loss)

if __name__ == "__main__":
    import jax
    _d = setup_inputs()
    print(jax.jit(kernel)(*tuple(_d.values())))

</pallas_src>

<mosaic_0001>
#map = affine_map<(d0, d1) -> (0)>
module attributes {stable_mosaic.version = 14 : i64} {
  func.func @_sc_stats(%arg0: i32, %arg1: i32, %arg2: memref<131072xf32, #tpu.memory_space<hbm>>, %arg3: memref<64xf32, #tpu.memory_space<hbm>>, %arg4: memref<64xf32, #tpu.memory_space<hbm>>, %arg5: memref<64xf32, #tpu.memory_space<hbm>>, %arg6: memref<16xf32, #tpu.memory_space<hbm>>, %arg7: memref<8192xf32, #tpu.memory_space<vmem>>, %arg8: memref<64xf32, #tpu.memory_space<vmem>>, %arg9: memref<64xf32, #tpu.memory_space<vmem>>, %arg10: memref<1024xf32, #tpu.memory_space<vmem>>, %arg11: memref<1024xf32, #tpu.memory_space<vmem_shared>>, %arg12: memref<1024xf32, #tpu.memory_space<vmem_shared>>, %arg13: memref<64xf32, #tpu.memory_space<vmem>>) attributes {dimension_semantics = [#tpu.dimension_semantics<core_parallel>, #tpu.dimension_semantics<subcore_parallel>], iteration_bounds = array<i64: 1, 16>, scalar_prefetch = 0 : i64, scratch_operands = 7 : i64, tpu.core_type = #tpu.core_type<sc_vector_subcore>, window_params = [{transform_indices = #map}, {transform_indices = #map}, {transform_indices = #map}, {transform_indices = #map}, {transform_indices = #map}]} {
    %mul3A = arith.constant 8192 : i32
    %mul3A_0 = arith.muli %arg1, %mul3A : i32
    "tpu.region"() ({
      %run_scoped3A = tpu.sem_alloc : memref<!tpu.dma_semaphore, #tpu.memory_space<semaphore_mem>>
      %dma_start3A = tpu.memref_slice %arg2[%mul3A_0] : memref<131072xf32, #tpu.memory_space<hbm>> -> memref<8192xf32, #tpu.memory_space<hbm>>
      %dma_start3A_29 = tpu.memref_slice %arg2[%mul3A_0] : memref<131072xf32, #tpu.memory_space<hbm>> -> memref<8192xf32, #tpu.memory_space<hbm>>
      tpu.enqueue_dma source(%dma_start3A_29 : memref<8192xf32, #tpu.memory_space<hbm>>) target(%arg7 : memref<8192xf32, #tpu.memory_space<vmem>>) target_semaphore(%run_scoped3A : memref<!tpu.dma_semaphore, #tpu.memory_space<semaphore_mem>>)
      %dma_wait3A = tpu.memref_slice %arg2[%mul3A_0] : memref<131072xf32, #tpu.memory_space<hbm>> -> memref<8192xf32, #tpu.memory_space<hbm>>
      %dma_wait3A_30 = tpu.memref_slice %arg2[%mul3A_0] : memref<131072xf32, #tpu.memory_space<hbm>> -> memref<8192xf32, #tpu.memory_space<hbm>>
      tpu.wait_dma2 semaphore(%run_scoped3A : memref<!tpu.dma_semaphore, #tpu.memory_space<semaphore_mem>>) src(%dma_wait3A_30 : memref<8192xf32, #tpu.memory_space<hbm>>) dst(%arg7 : memref<8192xf32, #tpu.memory_space<vmem>>)
      tpu.yield
    }) : () -> ()
    %broadcast_in_dim3A = arith.constant 0.000000e+00 : f32
    %broadcast_in_dim3A_1 = vector.broadcast %broadcast_in_dim3A : f32 to vector<16xf32>
    %swap3A = arith.constant 0 : index
    %swap3A_2 = tpu.vector_load %arg8[%swap3A] {strides = array<i32>} : memref<64xf32, #tpu.memory_space<vmem>>, vector<16xf32>,
    tpu.vector_store %arg8[%swap3A], %broadcast_in_dim3A_1 {strides = array<i32>} : memref<64xf32, #tpu.memory_space<vmem>>, vector<16xf32>,
    %swap3A_3 = arith.constant 0 : index
    %swap3A_4 = tpu.vector_load %arg9[%swap3A_3] {strides = array<i32>} : memref<64xf32, #tpu.memory_space<vmem>>, vector<16xf32>,
    tpu.vector_store %arg9[%swap3A_3], %broadcast_in_dim3A_1 {strides = array<i32>} : memref<64xf32, #tpu.memory_space<vmem>>, vector<16xf32>,
    %swap3A_5 = arith.constant 16 : index
    %swap3A_6 = tpu.vector_load %arg8[%swap3A_5] {strides = array<i32>} : memref<64xf32, #tpu.memory_space<vmem>>, vector<16xf32>,
    tpu.vector_store %arg8[%swap3A_5], %broadcast_in_dim3A_1 {strides = array<i32>} : memref<64xf32, #tpu.memory_space<vmem>>, vector<16xf32>,
    %swap3A_7 = arith.constant 16 : index
    %swap3A_8 = tpu.vector_load %arg9[%swap3A_7] {strides = array<i32>} : memref<64xf32, #tpu.memory_space<vmem>>, vector<16xf32>,
    tpu.vector_store %arg9[%swap3A_7], %broadcast_in_dim3A_1 {strides = array<i32>} : memref<64xf32, #tpu.memory_space<vmem>>, vector<16xf32>,
    %swap3A_9 = arith.constant 32 : index
    %swap3A_10 = tpu.vector_load %arg8[%swap3A_9] {strides = array<i32>} : memref<64xf32, #tpu.memory_space<vmem>>, vector<16xf32>,
    tpu.vector_store %arg8[%swap3A_9], %broadcast_in_dim3A_1 {strides = array<i32>} : memref<64xf32, #tpu.memory_space<vmem>>, vector<16xf32>,
    %swap3A_11 = arith.constant 32 : index
    %swap3A_12 = tpu.vector_load %arg9[%swap3A_11] {strides = array<i32>} : memref<64xf32, #tpu.memory_space<vmem>>, vector<16xf32>,
    tpu.vector_store %arg9[%swap3A_11], %broadcast_in_dim3A_1 {strides = array<i32>} : memref<64xf32, #tpu.memory_space<vmem>>, vector<16xf32>,
    %swap3A_13 = arith.constant 48 : index
    %swap3A_14 = tpu.vector_load %arg8[%swap3A_13] {strides = array<i32>} : memref<64xf32, #tpu.memory_space<vmem>>, vector<16xf32>,
    tpu.vector_store %arg8[%swap3A_13], %broadcast_in_dim3A_1 {strides = array<i32>} : memref<64xf32, #tpu.memory_space<vmem>>, vector<16xf32>,
    %swap3A_15 = arith.constant 48 : index
    %swap3A_16 = tpu.vector_load %arg9[%swap3A_15] {strides = array<i32>} : memref<64xf32, #tpu.memory_space<vmem>>, vector<16xf32>,
    tpu.vector_store %arg9[%swap3A_15], %broadcast_in_dim3A_1 {strides = array<i32>} : memref<64xf32, #tpu.memory_space<vmem>>, vector<16xf32>,
    %iota3A = tpu.iota {dimensions = array<i32: 0>} : vector<16xi32>
    %scan3A = arith.constant 0 : i32
    %scan3A_17 = arith.constant 0 : i32
    %scan3A_18 = arith.constant 8 : i32
    %scan3A_19 = arith.addi %scan3A_17, %scan3A_18 : i32
    %scan3A_20 = arith.constant 1 : i32
    %scan3A_21 = scf.for %scan3A_29 = %scan3A_17 to %scan3A_19 step %scan3A_20 iter_args(%scan3A_30 = %scan3A) -> (i32)  : i32 {
      %mul3A_31 = arith.constant 16 : i32
      %mul3A_32 = arith.muli %scan3A_29, %mul3A_31 : i32
      %add3A = vector.broadcast %mul3A_32 : i32 to vector<16xi32>
      %add3A_33 = arith.addi %add3A, %iota3A : vector<16xi32>
      %mul3A_34 = arith.constant 64 : i32
      %mul3A_35 = vector.broadcast %mul3A_34 : i32 to vector<16xi32>
      %mul3A_36 = arith.muli %add3A_33, %mul3A_35 : vector<16xi32>
      %broadcast_in_dim3A_37 = arith.constant -1.000000e+00 : f32
      %broadcast_in_dim3A_38 = vector.broadcast %broadcast_in_dim3A_37 : f32 to vector<16xf32>
      %broadcast_in_dim3A_39 = arith.constant 0 : i32
      %broadcast_in_dim3A_40 = vector.broadcast %broadcast_in_dim3A_39 : i32 to vector<16xi32>
      %broadcast_in_dim3A_41 = arith.constant -1.000000e+00 : f32
      %broadcast_in_dim3A_42 = vector.broadcast %broadcast_in_dim3A_41 : f32 to vector<16xf32>
      %broadcast_in_dim3A_43 = arith.constant 0 : i32
      %broadcast_in_dim3A_44 = vector.broadcast %broadcast_in_dim3A_43 : i32 to vector<16xi32>
      %scan3A_45 = arith.constant 0 : i32
      %scan3A_46 = arith.constant 64 : i32
      %scan3A_47 = arith.addi %scan3A_45, %scan3A_46 : i32
      %scan3A_48 = arith.constant 1 : i32
      %scan3A_49:4 = scf.for %scan3A_60 = %scan3A_45 to %scan3A_47 step %scan3A_48 iter_args(%scan3A_61 = %broadcast_in_dim3A_38, %scan3A_62 = %broadcast_in_dim3A_40, %scan3A_63 = %broadcast_in_dim3A_42, %scan3A_64 = %broadcast_in_dim3A_44) -> (vector<16xf32>, vector<16xi32>, vector<16xf32>, vector<16xi32>)  : i32 {
        %broadcast_in_dim3A_65 = vector.broadcast %scan3A_60 : i32 to vector<16xi32>
        %add3A_66 = arith.addi %mul3A_36, %broadcast_in_dim3A_65 : vector<16xi32>
        %gather3A = tpu.vector_load_idx %arg7[%add3A_66] : memref<8192xf32, #tpu.memory_space<vmem>>[vector<16xi32>], vector<16xf32>,
        %gt3A = arith.cmpf ogt, %gather3A, %scan3A_61 : vector<16xf32>
        %not3A = arith.constant dense<true> : vector<16xi1>
        %not3A_67 = arith.xori %gt3A, %not3A : vector<16xi1>
        %gt3A_68 = arith.cmpf ogt, %gather3A, %scan3A_63 : vector<16xf32>
        %and3A = arith.andi %not3A_67, %gt3A_68 : vector<16xi1>
        %select_n3A = arith.select %and3A, %gather3A, %scan3A_63 : vector<16xi1>, vector<16xf32>
        %select_n3A_69 = arith.select %gt3A, %scan3A_61, %select_n3A : vector<16xi1>, vector<16xf32>
        %select_n3A_70 = arith.select %and3A, %broadcast_in_dim3A_65, %scan3A_64 : vector<16xi1>, vector<16xi32>
        %select_n3A_71 = arith.select %gt3A, %scan3A_62, %select_n3A_70 : vector<16xi1>, vector<16xi32>
        %select_n3A_72 = arith.select %gt3A, %gather3A, %scan3A_61 : vector<16xi1>, vector<16xf32>
        %select_n3A_73 = arith.select %gt3A, %broadcast_in_dim3A_65, %scan3A_62 : vector<16xi1>, vector<16xi32>
        scf.yield %select_n3A_72, %select_n3A_73, %select_n3A_69, %select_n3A_71 : vector<16xf32>, vector<16xi32>, vector<16xf32>, vector<16xi32>
      }
      %scan3A_50 = arith.constant 64 : i32
      %broadcast_in_dim3A_51 = arith.constant 4.8828125E-4 : f32
      %broadcast_in_dim3A_52 = vector.broadcast %broadcast_in_dim3A_51 : f32 to vector<16xf32>
      %mul3A_53 = arith.constant 4.8828125E-4 : f32
      %mul3A_54 = vector.broadcast %mul3A_53 : f32 to vector<16xf32>
      %mul3A_55 = arith.mulf %scan3A_49#0, %mul3A_54 : vector<16xf32>
      tpu.vector_store_idx %arg8[%scan3A_49#1], %mul3A_55 {add = true} : memref<64xf32, #tpu.memory_space<vmem>>[vector<16xi32>], vector<16xf32>,
      %mul3A_56 = arith.constant 4.8828125E-4 : f32
      %mul3A_57 = vector.broadcast %mul3A_56 : f32 to vector<16xf32>
      %mul3A_58 = arith.mulf %scan3A_49#2, %mul3A_57 : vector<16xf32>
      tpu.vector_store_idx %arg8[%scan3A_49#3], %mul3A_58 {add = true} : memref<64xf32, #tpu.memory_space<vmem>>[vector<16xi32>], vector<16xf32>,
      tpu.vector_store_idx %arg9[%scan3A_49#1], %broadcast_in_dim3A_52 {add = true} : memref<64xf32, #tpu.memory_space<vmem>>[vector<16xi32>], vector<16xf32>,
      tpu.vector_store_idx %arg9[%scan3A_49#3], %broadcast_in_dim3A_52 {add = true} : memref<64xf32, #tpu.memory_space<vmem>>[vector<16xi32>], vector<16xf32>,
      %scan3A_59 = arith.constant 0 : i32
      scf.yield %scan3A_59 : i32
    }
    %scan3A_22 = arith.constant 8 : i32
    %mul3A_23 = arith.constant 64 : i32
    %mul3A_24 = arith.muli %arg1, %mul3A_23 : i32
    "tpu.region"() ({
      %run_scoped3A = tpu.sem_alloc : memref<!tpu.dma_semaphore, #tpu.memory_space<semaphore_mem>>
      %dma_start3A = tpu.memref_slice %arg11[%mul3A_24] : memref<1024xf32, #tpu.memory_space<vmem_shared>> -> memref<64xf32, #tpu.memory_space<vmem_shared>>
      %dma_start3A_29 = tpu.memref_slice %arg11[%mul3A_24] : memref<1024xf32, #tpu.memory_space<vmem_shared>> -> memref<64xf32, #tpu.memory_space<vmem_shared>>
      tpu.enqueue_dma source(%arg8 : memref<64xf32, #tpu.memory_space<vmem>>) target(%dma_start3A_29 : memref<64xf32, #tpu.memory_space<vmem_shared>>) target_semaphore(%run_scoped3A : memref<!tpu.dma_semaphore, #tpu.memory_space<semaphore_mem>>)
      %dma_wait3A = tpu.memref_slice %arg11[%mul3A_24] : memref<1024xf32, #tpu.memory_space<vmem_shared>> -> memref<64xf32, #tpu.memory_space<vmem_shared>>
      %dma_wait3A_30 = tpu.memref_slice %arg11[%mul3A_24] : memref<1024xf32, #tpu.memory_space<vmem_shared>> -> memref<64xf32, #tpu.memory_space<vmem_shared>>
      tpu.wait_dma2 semaphore(%run_scoped3A : memref<!tpu.dma_semaphore, #tpu.memory_space<semaphore_mem>>) src(%arg8 : memref<64xf32, #tpu.memory_space<vmem>>) dst(%dma_wait3A_30 : memref<64xf32, #tpu.memory_space<vmem_shared>>)
      tpu.yield
    }) : () -> ()
    %mul3A_25 = arith.constant 64 : i32
    %mul3A_26 = arith.muli %arg1, %mul3A_25 : i32
    "tpu.region"() ({
      %run_scoped3A = tpu.sem_alloc : memref<!tpu.dma_semaphore, #tpu.memory_space<semaphore_mem>>
      %dma_start3A = tpu.memref_slice %arg12[%mul3A_26] : memref<1024xf32, #tpu.memory_space<vmem_shared>> -> memref<64xf32, #tpu.memory_space<vmem_shared>>
      %dma_start3A_29 = tpu.memref_slice %arg12[%mul3A_26] : memref<1024xf32, #tpu.memory_space<vmem_shared>> -> memref<64xf32, #tpu.memory_space<vmem_shared>>
      tpu.enqueue_dma source(%arg9 : memref<64xf32, #tpu.memory_space<vmem>>) target(%dma_start3A_29 : memref<64xf32, #tpu.memory_space<vmem_shared>>) target_semaphore(%run_scoped3A : memref<!tpu.dma_semaphore, #tpu.memory_space<semaphore_mem>>)
      %dma_wait3A = tpu.memref_slice %arg12[%mul3A_26] : memref<1024xf32, #tpu.memory_space<vmem_shared>> -> memref<64xf32, #tpu.memory_space<vmem_shared>>
      %dma_wait3A_30 = tpu.memref_slice %arg12[%mul3A_26] : memref<1024xf32, #tpu.memory_space<vmem_shared>> -> memref<64xf32, #tpu.memory_space<vmem_shared>>
      tpu.wait_dma2 semaphore(%run_scoped3A : memref<!tpu.dma_semaphore, #tpu.memory_space<semaphore_mem>>) src(%arg9 : memref<64xf32, #tpu.memory_space<vmem>>) dst(%dma_wait3A_30 : memref<64xf32, #tpu.memory_space<vmem_shared>>)
      tpu.yield
    }) : () -> ()
    %barrier3A = arith.constant 0 : index
    tpu.barrier barrier_id(%barrier3A)
    %eq3A = arith.constant 0 : i32
    %eq3A_27 = arith.cmpi eq, %arg1, %eq3A : i32
    %convert_element_type3A = arith.extui %eq3A_27 : i1 to i32
    %cond3A = arith.constant 0 : i32
    %cond3A_28 = arith.cmpi ne, %convert_element_type3A, %cond3A : i32
    scf.if %cond3A_28 {
      "tpu.region"() ({
        %run_scoped3A = tpu.sem_alloc : memref<!tpu.dma_semaphore, #tpu.memory_space<semaphore_mem>>
        tpu.enqueue_dma source(%arg11 : memref<1024xf32, #tpu.memory_space<vmem_shared>>) target(%arg10 : memref<1024xf32, #tpu.memory_space<vmem>>) target_semaphore(%run_scoped3A : memref<!tpu.dma_semaphore, #tpu.memory_space<semaphore_mem>>)
        tpu.wait_dma2 semaphore(%run_scoped3A : memref<!tpu.dma_semaphore, #tpu.memory_space<semaphore_mem>>) src(%arg11 : memref<1024xf32, #tpu.memory_space<vmem_shared>>) dst(%arg10 : memref<1024xf32, #tpu.memory_space<vmem>>)
        tpu.yield
      }) : () -> ()
      %broadcast_in_dim3A_29 = arith.constant 0.000000e+00 : f32
      %broadcast_in_dim3A_30 = vector.broadcast %broadcast_in_dim3A_29 : f32 to vector<16xf32>
      %broadcast_in_dim3A_31 = arith.constant 0.000000e+00 : f32
      %broadcast_in_dim3A_32 = vector.broadcast %broadcast_in_dim3A_31 : f32 to vector<16xf32>
      %broadcast_in_dim3A_33 = arith.constant 0.000000e+00 : f32
      %broadcast_in_dim3A_34 = vector.broadcast %broadcast_in_dim3A_33 : f32 to vector<16xf32>
      %broadcast_in_dim3A_35 = arith.constant 0.000000e+00 : f32
      %broadcast_in_dim3A_36 = vector.broadcast %broadcast_in_dim3A_35 : f32 to vector<16xf32>
      %get3A = arith.constant 0 : index
      %get3A_37 = tpu.vector_load %arg10[%get3A] {strides = array<i32>} : memref<1024xf32, #tpu.memory_space<vmem>>, vector<16xf32>,
      %add3A = arith.addf %broadcast_in_dim3A_30, %get3A_37 : vector<16xf32>
      %get3A_38 = arith.constant 16 : index
      %get3A_39 = tpu.vector_load %arg10[%get3A_38] {strides = array<i32>} : memref<1024xf32, #tpu.memory_space<vmem>>, vector<16xf32>,
      %add3A_40 = arith.addf %broadcast_in_dim3A_32, %get3A_39 : vector<16xf32>
      %get3A_41 = arith.constant 32 : index
      %get3A_42 = tpu.vector_load %arg10[%get3A_41] {strides = array<i32>} : memref<1024xf32, #tpu.memory_space<vmem>>, vector<16xf32>,
      %add3A_43 = arith.addf %broadcast_in_dim3A_34, %get3A_42 : vector<16xf32>
      %get3A_44 = arith.constant 48 : index
      %get3A_45 = tpu.vector_load %arg10[%get3A_44] {strides = array<i32>} : memref<1024xf32, #tpu.memory_space<vmem>>, vector<16xf32>,
      %add3A_46 = arith.addf %broadcast_in_dim3A_36, %get3A_45 : vector<16xf32>
      %get3A_47 = arith.constant 64 : index
      %get3A_48 = tpu.vector_load %arg10[%get3A_47] {strides = array<i32>} : memref<1024xf32, #tpu.memory_space<vmem>>, vector<16xf32>,
      %add3A_49 = arith.addf %add3A, %get3A_48 : vector<16xf32>
      %get3A_50 = arith.constant 80 : index
      %get3A_51 = tpu.vector_load %arg10[%get3A_50] {strides = array<i32>} : memref<1024xf32, #tpu.memory_space<vmem>>, vector<16xf32>,
      %add3A_52 = arith.addf %add3A_40, %get3A_51 : vector<16xf32>
      %get3A_53 = arith.constant 96 : index
      %get3A_54 = tpu.vector_load %arg10[%get3A_53] {strides = array<i32>} : memref<1024xf32, #tpu.memory_space<vmem>>, vector<16xf32>,
      %add3A_55 = arith.addf %add3A_43, %get3A_54 : vector<16xf32>
      %get3A_56 = arith.constant 112 : index
      %get3A_57 = tpu.vector_load %arg10[%get3A_56] {strides = array<i32>} : memref<1024xf32, #tpu.memory_space<vmem>>, vector<16xf32>,
      %add3A_58 = arith.addf %add3A_46, %get3A_57 : vector<16xf32>
      %get3A_59 = arith.constant 128 : index
      %get3A_60 = tpu.vector_load %arg10[%get3A_59] {strides = array<i32>} : memref<1024xf32, #tpu.memory_space<vmem>>, vector<16xf32>,
      %add3A_61 = arith.addf %add3A_49, %get3A_60 : vector<16xf32>
      %get3A_62 = arith.constant 144 : index
      %get3A_63 = tpu.vector_load %arg10[%get3A_62] {strides = array<i32>} : memref<1024xf32, #tpu.memory_space<vmem>>, vector<16xf32>,
      %add3A_64 = arith.addf %add3A_52, %get3A_63 : vector<16xf32>
      %get3A_65 = arith.constant 160 : index
      %get3A_66 = tpu.vector_load %arg10[%get3A_65] {strides = array<i32>} : memref<1024xf32, #tpu.memory_space<vmem>>, vector<16xf32>,
      %add3A_67 = arith.addf %add3A_55, %get3A_66 : vector<16xf32>
      %get3A_68 = arith.constant 176 : index
      %get3A_69 = tpu.vector_load %arg10[%get3A_68] {strides = array<i32>} : memref<1024xf32, #tpu.memory_space<vmem>>, vector<16xf32>,
      %add3A_70 = arith.addf %add3A_58, %get3A_69 : vector<16xf32>
      %get3A_71 = arith.constant 192 : index
      %get3A_72 = tpu.vector_load %arg10[%get3A_71] {strides = array<i32>} : memref<1024xf32, #tpu.memory_space<vmem>>, vector<16xf32>,
      %add3A_73 = arith.addf %add3A_61, %get3A_72 : vector<16xf32>
      %get3A_74 = arith.constant 208 : index
      %get3A_75 = tpu.vector_load %arg10[%get3A_74] {strides = array<i32>} : memref<1024xf32, #tpu.memory_space<vmem>>, vector<16xf32>,
      %add3A_76 = arith.addf %add3A_64, %get3A_75 : vector<16xf32>
      %get3A_77 = arith.constant 224 : index
      %get3A_78 = tpu.vector_load %arg10[%get3A_77] {strides = array<i32>} : memref<1024xf32, #tpu.memory_space<vmem>>, vector<16xf32>,
      %add3A_79 = arith.addf %add3A_67, %get3A_78 : vector<16xf32>
      %get3A_80 = arith.constant 240 : index
      %get3A_81 = tpu.vector_load %arg10[%get3A_80] {strides = array<i32>} : memref<1024xf32, #tpu.memory_space<vmem>>, vector<16xf32>,
      %add3A_82 = arith.addf %add3A_70, %get3A_81 : vector<16xf32>
      %get3A_83 = arith.constant 256 : index
      %get3A_84 = tpu.vector_load %arg10[%get3A_83] {strides = array<i32>} : memref<1024xf32, #tpu.memory_space<vmem>>, vector<16xf32>,
      %add3A_85 = arith.addf %add3A_73, %get3A_84 : vector<16xf32>
      %get3A_86 = arith.constant 272 : index
      %get3A_87 = tpu.vector_load %arg10[%get3A_86] {strides = array<i32>} : memref<1024xf32, #tpu.memory_space<vmem>>, vector<16xf32>,
      %add3A_88 = arith.addf %add3A_76, %get3A_87 : vector<16xf32>
      %get3A_89 = arith.constant 288 : index
      %get3A_90 = tpu.vector_load %arg10[%get3A_89] {strides = array<i32>} : memref<1024xf32, #tpu.memory_space<vmem>>, vector<16xf32>,
      %add3A_91 = arith.addf %add3A_79, %get3A_90 : vector<16xf32>
      %get3A_92 = arith.constant 304 : index
      %get3A_93 = tpu.vector_load %arg10[%get3A_92] {strides = array<i32>} : memref<1024xf32, #tpu.memory_space<vmem>>, vector<16xf32>,
      %add3A_94 = arith.addf %add3A_82, %get3A_93 : vector<16xf32>
      %get3A_95 = arith.constant 320 : index
      %get3A_96 = tpu.vector_load %arg10[%get3A_95] {strides = array<i32>} : memref<1024xf32, #tpu.memory_space<vmem>>, vector<16xf32>,
      %add3A_97 = arith.addf %add3A_85, %get3A_96 : vector<16xf32>
      %get3A_98 = arith.constant 336 : index
      %get3A_99 = tpu.vector_load %arg10[%get3A_98] {strides = array<i32>} : memref<1024xf32, #tpu.memory_space<vmem>>, vector<16xf32>,
      %add3A_100 = arith.addf %add3A_88, %get3A_99 : vector<16xf32>
      %get3A_101 = arith.constant 352 : index
      %get3A_102 = tpu.vector_load %arg10[%get3A_101] {strides = array<i32>} : memref<1024xf32, #tpu.memory_space<vmem>>, vector<16xf32>,
      %add3A_103 = arith.addf %add3A_91, %get3A_102 : vector<16xf32>
      %get3A_104 = arith.constant 368 : index
      %get3A_105 = tpu.vector_load %arg10[%get3A_104] {strides = array<i32>} : memref<1024xf32, #tpu.memory_space<vmem>>, vector<16xf32>,
      %add3A_106 = arith.addf %add3A_94, %get3A_105 : vector<16xf32>
      %get3A_107 = arith.constant 384 : index
      %get3A_108 = tpu.vector_load %arg10[%get3A_107] {strides = array<i32>} : memref<1024xf32, #tpu.memory_space<vmem>>, vector<16xf32>,
      %add3A_109 = arith.addf %add3A_97, %get3A_108 : vector<16xf32>
      %get3A_110 = arith.constant 400 : index
      %get3A_111 = tpu.vector_load %arg10[%get3A_110] {strides = array<i32>} : memref<1024xf32, #tpu.memory_space<vmem>>, vector<16xf32>,
      %add3A_112 = arith.addf %add3A_100, %get3A_111 : vector<16xf32>
      %get3A_113 = arith.constant 416 : index
      %get3A_114 = tpu.vector_load %arg10[%get3A_113] {strides = array<i32>} : memref<1024xf32, #tpu.memory_space<vmem>>, vector<16xf32>,
      %add3A_115 = arith.addf %add3A_103, %get3A_114 : vector<16xf32>
      %get3A_116 = arith.constant 432 : index
      %get3A_117 = tpu.vector_load %arg10[%get3A_116] {strides = array<i32>} : memref<1024xf32, #tpu.memory_space<vmem>>, vector<16xf32>,
      %add3A_118 = arith.addf %add3A_106, %get3A_117 : vector<16xf32>
      %get3A_119 = arith.constant 448 : index
      %get3A_120 = tpu.vector_load %arg10[%get3A_119] {strides = array<i32>} : memref<1024xf32, #tpu.memory_space<vmem>>, vector<16xf32>,
      %add3A_121 = arith.addf %add3A_109, %get3A_120 : vector<16xf32>
      %get3A_122 = arith.constant 464 : index
      %get3A_123 = tpu.vector_load %arg10[%get3A_122] {strides = array<i32>} : memref<1024xf32, #tpu.memory_space<vmem>>, vector<16xf32>,
      %add3A_124 = arith.addf %add3A_112, %get3A_123 : vector<16xf32>
      %get3A_125 = arith.constant 480 : index
      %get3A_126 = tpu.vector_load %arg10[%get3A_125] {strides = array<i32>} : memref<1024xf32, #tpu.memory_space<vmem>>, vector<16xf32>,
      %add3A_127 = arith.addf %add3A_115, %get3A_126 : vector<16xf32>
      %get3A_128 = arith.constant 496 : index
      %get3A_129 = tpu.vector_load %arg10[%get3A_128] {strides = array<i32>} : memref<1024xf32, #tpu.memory_space<vmem>>, vector<16xf32>,
      %add3A_130 = arith.addf %add3A_118, %get3A_129 : vector<16xf32>
      %get3A_131 = arith.constant 512 : index
      %get3A_132 = tpu.vector_load %arg10[%get3A_131] {strides = array<i32>} : memref<1024xf32, #tpu.memory_space<vmem>>, vector<16xf32>,
      %add3A_133 = arith.addf %add3A_121, %get3A_132 : vector<16xf32>
      %get3A_134 = arith.constant 528 : index
      %get3A_135 = tpu.vector_load %arg10[%get3A_134] {strides = array<i32>} : memref<1024xf32, #tpu.memory_space<vmem>>, vector<16xf32>,
      %add3A_136 = arith.addf %add3A_124, %get3A_135 : vector<16xf32>
      %get3A_137 = arith.constant 544 : index
      %get3A_138 = tpu.vector_load %arg10[%get3A_137] {strides = array<i32>} : memref<1024xf32, #tpu.memory_space<vmem>>, vector<16xf32>,
      %add3A_139 = arith.addf %add3A_127, %get3A_138 : vector<16xf32>
      %get3A_140 = arith.constant 560 : index
      %get3A_141 = tpu.vector_load %arg10[%get3A_140] {strides = array<i32>} : memref<1024xf32, #tpu.memory_space<vmem>>, vector<16xf32>,
      %add3A_142 = arith.addf %add3A_130, %get3A_141 : vector<16xf32>
      %get3A_143 = arith.constant 576 : index
      %get3A_144 = tpu.vector_load %arg10[%get3A_143] {strides = array<i32>} : memref<1024xf32, #tpu.memory_space<vmem>>, vector<16xf32>,
      %add3A_145 = arith.addf %add3A_133, %get3A_144 : vector<16xf32>
      %get3A_146 = arith.constant 592 : index
      %get3A_147 = tpu.vector_load %arg10[%get3A_146] {strides = array<i32>} : memref<1024xf32, #tpu.memory_space<vmem>>, vector<16xf32>,
      %add3A_148 = arith.addf %add3A_136, %get3A_147 : vector<16xf32>
      %get3A_149 = arith.constant 608 : index
      %get3A_150 = tpu.vector_load %arg10[%get3A_149] {strides = array<i32>} : memref<1024xf32, #tpu.memory_space<vmem>>, vector<16xf32>,
      %add3A_151 = arith.addf %add3A_139, %get3A_150 : vector<16xf32>
      %get3A_152 = arith.constant 624 : index
      %get3A_153 = tpu.vector_load %arg10[%get3A_152] {strides = array<i32>} : memref<1024xf32, #tpu.memory_space<vmem>>, vector<16xf32>,
      %add3A_154 = arith.addf %add3A_142, %get3A_153 : vector<16xf32>
      %get3A_155 = arith.constant 640 : index
      %get3A_156 = tpu.vector_load %arg10[%get3A_155] {strides = array<i32>} : memref<1024xf32, #tpu.memory_space<vmem>>, vector<16xf32>,
      %add3A_157 = arith.addf %add3A_145, %get3A_156 : vector<16xf32>
      %get3A_158 = arith.constant 656 : index
      %get3A_159 = tpu.vector_load %arg10[%get3A_158] {strides = array<i32>} : memref<1024xf32, #tpu.memory_space<vmem>>, vector<16xf32>,
      %add3A_160 = arith.addf %add3A_148, %get3A_159 : vector<16xf32>
      %get3A_161 = arith.constant 672 : index
      %get3A_162 = tpu.vector_load %arg10[%get3A_161] {strides = array<i32>} : memref<1024xf32, #tpu.memory_space<vmem>>, vector<16xf32>,
      %add3A_163 = arith.addf %add3A_151, %get3A_162 : vector<16xf32>
      %get3A_164 = arith.constant 688 : index
      %get3A_165 = tpu.vector_load %arg10[%get3A_164] {strides = array<i32>} : memref<1024xf32, #tpu.memory_space<vmem>>, vector<16xf32>,
      %add3A_166 = arith.addf %add3A_154, %get3A_165 : vector<16xf32>
      %get3A_167 = arith.constant 704 : index
      %get3A_168 = tpu.vector_load %arg10[%get3A_167] {strides = array<i32>} : memref<1024xf32, #tpu.memory_space<vmem>>, vector<16xf32>,
      %add3A_169 = arith.addf %add3A_157, %get3A_168 : vector<16xf32>
      %get3A_170 = arith.constant 720 : index
      %get3A_171 = tpu.vector_load %arg10[%get3A_170] {strides = array<i32>} : memref<1024xf32, #tpu.memory_space<vmem>>, vector<16xf32>,
      %add3A_172 = arith.addf %add3A_160, %get3A_171 : vector<16xf32>
      %get3A_173 = arith.constant 736 : index
      %get3A_174 = tpu.vector_load %arg10[%get3A_173] {strides = array<i32>} : memref<1024xf32, #tpu.memory_space<vmem>>, vector<16xf32>,
      %add3A_175 = arith.addf %add3A_163, %get3A_174 : vector<16xf32>
      %get3A_176 = arith.constant 752 : index
      %get3A_177 = tpu.vector_load %arg10[%get3A_176] {strides = array<i32>} : memref<1024xf32, #tpu.memory_space<vmem>>, vector<16xf32>,
      %add3A_178 = arith.addf %add3A_166, %get3A_177 : vector<16xf32>
      %get3A_179 = arith.constant 768 : index
      %get3A_180 = tpu.vector_load %arg10[%get3A_179] {strides = array<i32>} : memref<1024xf32, #tpu.memory_space<vmem>>, vector<16xf32>,
      %add3A_181 = arith.addf %add3A_169, %get3A_180 : vector<16xf32>
      %get3A_182 = arith.constant 784 : index
      %get3A_183 = tpu.vector_load %arg10[%get3A_182] {strides = array<i32>} : memref<1024xf32, #tpu.memory_space<vmem>>, vector<16xf32>,
      %add3A_184 = arith.addf %add3A_172, %get3A_183 : vector<16xf32>
      %get3A_185 = arith.constant 800 : index
      %get3A_186 = tpu.vector_load %arg10[%get3A_185] {strides = array<i32>} : memref<1024xf32, #tpu.memory_space<vmem>>, vector<16xf32>,
      %add3A_187 = arith.addf %add3A_175, %get3A_186 : vector<16xf32>
      %get3A_188 = arith.constant 816 : index
      %get3A_189 = tpu.vector_load %arg10[%get3A_188] {strides = array<i32>} : memref<1024xf32, #tpu.memory_space<vmem>>, vector<16xf32>,
      %add3A_190 = arith.addf %add3A_178, %get3A_189 : vector<16xf32>
      %get3A_191 = arith.constant 832 : index
      %get3A_192 = tpu.vector_load %arg10[%get3A_191] {strides = array<i32>} : memref<1024xf32, #tpu.memory_space<vmem>>, vector<16xf32>,
      %add3A_193 = arith.addf %add3A_181, %get3A_192 : vector<16xf32>
      %get3A_194 = arith.constant 848 : index
      %get3A_195 = tpu.vector_load %arg10[%get3A_194] {strides = array<i32>} : memref<1024xf32, #tpu.memory_space<vmem>>, vector<16xf32>,
      %add3A_196 = arith.addf %add3A_184, %get3A_195 : vector<16xf32>
      %get3A_197 = arith.constant 864 : index
      %get3A_198 = tpu.vector_load %arg10[%get3A_197] {strides = array<i32>} : memref<1024xf32, #tpu.memory_space<vmem>>, vector<16xf32>,
      %add3A_199 = arith.addf %add3A_187, %get3A_198 : vector<16xf32>
      %get3A_200 = arith.constant 880 : index
      %get3A_201 = tpu.vector_load %arg10[%get3A_200] {strides = array<i32>} : memref<1024xf32, #tpu.memory_space<vmem>>, vector<16xf32>,
      %add3A_202 = arith.addf %add3A_190, %get3A_201 : vector<16xf32>
      %get3A_203 = arith.constant 896 : index
      %get3A_204 = tpu.vector_load %arg10[%get3A_203] {strides = array<i32>} : memref<1024xf32, #tpu.memory_space<vmem>>, vector<16xf32>,
      %add3A_205 = arith.addf %add3A_193, %get3A_204 : vector<16xf32>
      %get3A_206 = arith.constant 912 : index
      %get3A_207 = tpu.vector_load %arg10[%get3A_206] {strides = array<i32>} : memref<1024xf32, #tpu.memory_space<vmem>>, vector<16xf32>,
      %add3A_208 = arith.addf %add3A_196, %get3A_207 : vector<16xf32>
      %get3A_209 = arith.constant 928 : index
      %get3A_210 = tpu.vector_load %arg10[%get3A_209] {strides = array<i32>} : memref<1024xf32, #tpu.memory_space<vmem>>, vector<16xf32>,
      %add3A_211 = arith.addf %add3A_199, %get3A_210 : vector<16xf32>
      %get3A_212 = arith.constant 944 : index
      %get3A_213 = tpu.vector_load %arg10[%get3A_212] {strides = array<i32>} : memref<1024xf32, #tpu.memory_space<vmem>>, vector<16xf32>,
      %add3A_214 = arith.addf %add3A_202, %get3A_213 : vector<16xf32>
      %get3A_215 = arith.constant 960 : index
      %get3A_216 = tpu.vector_load %arg10[%get3A_215] {strides = array<i32>} : memref<1024xf32, #tpu.memory_space<vmem>>, vector<16xf32>,
      %add3A_217 = arith.addf %add3A_205, %get3A_216 : vector<16xf32>
      %get3A_218 = arith.constant 976 : index
      %get3A_219 = tpu.vector_load %arg10[%get3A_218] {strides = array<i32>} : memref<1024xf32, #tpu.memory_space<vmem>>, vector<16xf32>,
      %add3A_220 = arith.addf %add3A_208, %get3A_219 : vector<16xf32>
      %get3A_221 = arith.constant 992 : index
      %get3A_222 = tpu.vector_load %arg10[%get3A_221] {strides = array<i32>} : memref<1024xf32, #tpu.memory_space<vmem>>, vector<16xf32>,
      %add3A_223 = arith.addf %add3A_211, %get3A_222 : vector<16xf32>
      %get3A_224 = arith.constant 1008 : index
      %get3A_225 = tpu.vector_load %arg10[%get3A_224] {strides = array<i32>} : memref<1024xf32, #tpu.memory_space<vmem>>, vector<16xf32>,
      %add3A_226 = arith.addf %add3A_214, %get3A_225 : vector<16xf32>
      %swap3A_227 = arith.constant 0 : index
      %swap3A_228 = tpu.vector_load %arg13[%swap3A_227] {strides = array<i32>} : memref<64xf32, #tpu.memory_space<vmem>>, vector<16xf32>,
      tpu.vector_store %arg13[%swap3A_227], %add3A_217 {strides = array<i32>} : memref<64xf32, #tpu.memory_space<vmem>>, vector<16xf32>,
      %swap3A_229 = arith.constant 16 : index
      %swap3A_230 = tpu.vector_load %arg13[%swap3A_229] {strides = array<i32>} : memref<64xf32, #tpu.memory_space<vmem>>, vector<16xf32>,
      tpu.vector_store %arg13[%swap3A_229], %add3A_220 {strides = array<i32>} : memref<64xf32, #tpu.memory_space<vmem>>, vector<16xf32>,
      %swap3A_231 = arith.constant 32 : index
      %swap3A_232 = tpu.vector_load %arg13[%swap3A_231] {strides = array<i32>} : memref<64xf32, #tpu.memory_space<vmem>>, vector<16xf32>,
      tpu.vector_store %arg13[%swap3A_231], %add3A_223 {strides = array<i32>} : memref<64xf32, #tpu.memory_space<vmem>>, vector<16xf32>,
      %swap3A_233 = arith.constant 48 : index
      %swap3A_234 = tpu.vector_load %arg13[%swap3A_233] {strides = array<i32>} : memref<64xf32, #tpu.memory_space<vmem>>, vector<16xf32>,
      tpu.vector_store %arg13[%swap3A_233], %add3A_226 {strides = array<i32>} : memref<64xf32, #tpu.memory_space<vmem>>, vector<16xf32>,
      "tpu.region"() ({
        %run_scoped3A = tpu.sem_alloc : memref<!tpu.dma_semaphore, #tpu.memory_space<semaphore_mem>>
        tpu.enqueue_dma source(%arg13 : memref<64xf32, #tpu.memory_space<vmem>>) target(%arg3 : memref<64xf32, #tpu.memory_space<hbm>>) target_semaphore(%run_scoped3A : memref<!tpu.dma_semaphore, #tpu.memory_space<semaphore_mem>>)
        tpu.wait_dma2 semaphore(%run_scoped3A : memref<!tpu.dma_semaphore, #tpu.memory_space<semaphore_mem>>) src(%arg13 : memref<64xf32, #tpu.memory_space<vmem>>) dst(%arg3 : memref<64xf32, #tpu.memory_space<hbm>>)
        tpu.yield
      }) : () -> ()
      %add3A_235 = arith.addf %add3A_217, %add3A_220 : vector<16xf32>
      %add3A_236 = arith.addf %add3A_235, %add3A_223 : vector<16xf32>
      %add3A_237 = arith.addf %add3A_236, %add3A_226 : vector<16xf32>
      %reduce_sum3A = arith.constant true
      %reduce_sum3A_238 = vector.broadcast %reduce_sum3A : i1 to vector<16xi1>
      %reduce_sum3A_239 = tpu.scan <sum>, %add3A_237 masked %reduce_sum3A_238 : vector<16xf32>, vector<16xi1> -> vector<16xf32>
      %reduce_sum3A_240 = vector.extract %reduce_sum3A_239[15] : f32 from vector<16xf32>
      %broadcast_in_dim3A_241 = vector.broadcast %reduce_sum3A_240 : f32 to vector<16xf32>
      %broadcast_in_dim3A_242 = arith.constant 9.99999996E-13 : f32
      %broadcast_in_dim3A_243 = vector.broadcast %broadcast_in_dim3A_242 : f32 to vector<16xf32>
      %max3A = arith.maximumf %broadcast_in_dim3A_241, %broadcast_in_dim3A_243 : vector<16xf32>
      %swap3A_244 = arith.constant 0 : index
      %swap3A_245 = tpu.vector_load %arg13[%swap3A_244] {strides = array<i32>} : memref<64xf32, #tpu.memory_space<vmem>>, vector<16xf32>,
      tpu.vector_store %arg13[%swap3A_244], %max3A {strides = array<i32>} : memref<64xf32, #tpu.memory_space<vmem>>, vector<16xf32>,
      "tpu.region"() ({
        %run_scoped3A = tpu.sem_alloc : memref<!tpu.dma_semaphore, #tpu.memory_space<semaphore_mem>>
        %dma_start3A = arith.constant 0 : i32
        %dma_start3A_465 = tpu.memref_slice %arg13[%dma_start3A] : memref<64xf32, #tpu.memory_space<vmem>> -> memref<16xf32, #tpu.memory_space<vmem>>
        %dma_start3A_466 = arith.constant 0 : i32
        %dma_start3A_467 = tpu.memref_slice %arg13[%dma_start3A_466] : memref<64xf32, #tpu.memory_space<vmem>> -> memref<16xf32, #tpu.memory_space<vmem>>
        tpu.enqueue_dma source(%dma_start3A_467 : memref<16xf32, #tpu.memory_space<vmem>>) target(%arg6 : memref<16xf32, #tpu.memory_space<hbm>>) target_semaphore(%run_scoped3A : memref<!tpu.dma_semaphore, #tpu.memory_space<semaphore_mem>>)
        %dma_wait3A = arith.constant 0 : i32
        %dma_wait3A_468 = tpu.memref_slice %arg13[%dma_wait3A] : memref<64xf32, #tpu.memory_space<vmem>> -> memref<16xf32, #tpu.memory_space<vmem>>
        %dma_wait3A_469 = arith.constant 0 : i32
        %dma_wait3A_470 = tpu.memref_slice %arg13[%dma_wait3A_469] : memref<64xf32, #tpu.memory_space<vmem>> -> memref<16xf32, #tpu.memory_space<vmem>>
        tpu.wait_dma2 semaphore(%run_scoped3A : memref<!tpu.dma_semaphore, #tpu.memory_space<semaphore_mem>>) src(%dma_wait3A_470 : memref<16xf32, #tpu.memory_space<vmem>>) dst(%arg6 : memref<16xf32, #tpu.memory_space<hbm>>)
        tpu.yield
      }) : () -> ()
      %div3A = arith.divf %add3A_217, %max3A : vector<16xf32>
      %swap3A_246 = arith.constant 0 : index
      %swap3A_247 = tpu.vector_load %arg13[%swap3A_246] {strides = array<i32>} : memref<64xf32, #tpu.memory_space<vmem>>, vector<16xf32>,
      tpu.vector_store %arg13[%swap3A_246], %div3A {strides = array<i32>} : memref<64xf32, #tpu.memory_space<vmem>>, vector<16xf32>,
      %div3A_248 = arith.divf %add3A_220, %max3A : vector<16xf32>
      %swap3A_249 = arith.constant 16 : index
      %swap3A_250 = tpu.vector_load %arg13[%swap3A_249] {strides = array<i32>} : memref<64xf32, #tpu.memory_space<vmem>>, vector<16xf32>,
      tpu.vector_store %arg13[%swap3A_249], %div3A_248 {strides = array<i32>} : memref<64xf32, #tpu.memory_space<vmem>>, vector<16xf32>,
      %div3A_251 = arith.divf %add3A_223, %max3A : vector<16xf32>
      %swap3A_252 = arith.constant 32 : index
      %swap3A_253 = tpu.vector_load %arg13[%swap3A_252] {strides = array<i32>} : memref<64xf32, #tpu.memory_space<vmem>>, vector<16xf32>,
      tpu.vector_store %arg13[%swap3A_252], %div3A_251 {strides = array<i32>} : memref<64xf32, #tpu.memory_space<vmem>>, vector<16xf32>,
      %div3A_254 = arith.divf %add3A_226, %max3A : vector<16xf32>
      %swap3A_255 = arith.constant 48 : index
      %swap3A_256 = tpu.vector_load %arg13[%swap3A_255] {strides = array<i32>} : memref<64xf32, #tpu.memory_space<vmem>>, vector<16xf32>,
      tpu.vector_store %arg13[%swap3A_255], %div3A_254 {strides = array<i32>} : memref<64xf32, #tpu.memory_space<vmem>>, vector<16xf32>,
      "tpu.region"() ({
        %run_scoped3A = tpu.sem_alloc : memref<!tpu.dma_semaphore, #tpu.memory_space<semaphore_mem>>
        tpu.enqueue_dma source(%arg13 : memref<64xf32, #tpu.memory_space<vmem>>) target(%arg5 : memref<64xf32, #tpu.memory_space<hbm>>) target_semaphore(%run_scoped3A : memref<!tpu.dma_semaphore, #tpu.memory_space<semaphore_mem>>)
        tpu.wait_dma2 semaphore(%run_scoped3A : memref<!tpu.dma_semaphore, #tpu.memory_space<semaphore_mem>>) src(%arg13 : memref<64xf32, #tpu.memory_space<vmem>>) dst(%arg5 : memref<64xf32, #tpu.memory_space<hbm>>)
        tpu.yield
      }) : () -> ()
      "tpu.region"() ({
        %run_scoped3A = tpu.sem_alloc : memref<!tpu.dma_semaphore, #tpu.memory_space<semaphore_mem>>
        tpu.enqueue_dma source(%arg12 : memref<1024xf32, #tpu.memory_space<vmem_shared>>) target(%arg10 : memref<1024xf32, #tpu.memory_space<vmem>>) target_semaphore(%run_scoped3A : memref<!tpu.dma_semaphore, #tpu.memory_space<semaphore_mem>>)
        tpu.wait_dma2 semaphore(%run_scoped3A : memref<!tpu.dma_semaphore, #tpu.memory_space<semaphore_mem>>) src(%arg12 : memref<1024xf32, #tpu.memory_space<vmem_shared>>) dst(%arg10 : memref<1024xf32, #tpu.memory_space<vmem>>)
        tpu.yield
      }) : () -> ()
      %broadcast_in_dim3A_257 = arith.constant 0.000000e+00 : f32
      %broadcast_in_dim3A_258 = vector.broadcast %broadcast_in_dim3A_257 : f32 to vector<16xf32>
      %broadcast_in_dim3A_259 = arith.constant 0.000000e+00 : f32
      %broadcast_in_dim3A_260 = vector.broadcast %broadcast_in_dim3A_259 : f32 to vector<16xf32>
      %broadcast_in_dim3A_261 = arith.constant 0.000000e+00 : f32
      %broadcast_in_dim3A_262 = vector.broadcast %broadcast_in_dim3A_261 : f32 to vector<16xf32>
      %broadcast_in_dim3A_263 = arith.constant 0.000000e+00 : f32
      %broadcast_in_dim3A_264 = vector.broadcast %broadcast_in_dim3A_263 : f32 to vector<16xf32>
      %get3A_265 = arith.constant 0 : index
      %get3A_266 = tpu.vector_load %arg10[%get3A_265] {strides = array<i32>} : memref<1024xf32, #tpu.memory_space<vmem>>, vector<16xf32>,
      %add3A_267 = arith.addf %broadcast_in_dim3A_258, %get3A_266 : vector<16xf32>
      %get3A_268 = arith.constant 16 : index
      %get3A_269 = tpu.vector_load %arg10[%get3A_268] {strides = array<i32>} : memref<1024xf32, #tpu.memory_space<vmem>>, vector<16xf32>,
      %add3A_270 = arith.addf %broadcast_in_dim3A_260, %get3A_269 : vector<16xf32>
      %get3A_271 = arith.constant 32 : index
      %get3A_272 = tpu.vector_load %arg10[%get3A_271] {strides = array<i32>} : memref<1024xf32, #tpu.memory_space<vmem>>, vector<16xf32>,
      %add3A_273 = arith.addf %broadcast_in_dim3A_262, %get3A_272 : vector<16xf32>
      %get3A_274 = arith.constant 48 : index
      %get3A_275 = tpu.vector_load %arg10[%get3A_274] {strides = array<i32>} : memref<1024xf32, #tpu.memory_space<vmem>>, vector<16xf32>,
      %add3A_276 = arith.addf %broadcast_in_dim3A_264, %get3A_275 : vector<16xf32>
      %get3A_277 = arith.constant 64 : index
      %get3A_278 = tpu.vector_load %arg10[%get3A_277] {strides = array<i32>} : memref<1024xf32, #tpu.memory_space<vmem>>, vector<16xf32>,
      %add3A_279 = arith.addf %add3A_267, %get3A_278 : vector<16xf32>
      %get3A_280 = arith.constant 80 : index
      %get3A_281 = tpu.vector_load %arg10[%get3A_280] {strides = array<i32>} : memref<1024xf32, #tpu.memory_space<vmem>>, vector<16xf32>,
      %add3A_282 = arith.addf %add3A_270, %get3A_281 : vector<16xf32>
      %get3A_283 = arith.constant 96 : index
      %get3A_284 = tpu.vector_load %arg10[%get3A_283] {strides = array<i32>} : memref<1024xf32, #tpu.memory_space<vmem>>, vector<16xf32>,
      %add3A_285 = arith.addf %add3A_273, %get3A_284 : vector<16xf32>
      %get3A_286 = arith.constant 112 : index
      %get3A_287 = tpu.vector_load %arg10[%get3A_286] {strides = array<i32>} : memref<1024xf32, #tpu.memory_space<vmem>>, vector<16xf32>,
      %add3A_288 = arith.addf %add3A_276, %get3A_287 : vector<16xf32>
      %get3A_289 = arith.constant 128 : index
      %get3A_290 = tpu.vector_load %arg10[%get3A_289] {strides = array<i32>} : memref<1024xf32, #tpu.memory_space<vmem>>, vector<16xf32>,
      %add3A_291 = arith.addf %add3A_279, %get3A_290 : vector<16xf32>
      %get3A_292 = arith.constant 144 : index
      %get3A_293 = tpu.vector_load %arg10[%get3A_292] {strides = array<i32>} : memref<1024xf32, #tpu.memory_space<vmem>>, vector<16xf32>,
      %add3A_294 = arith.addf %add3A_282, %get3A_293 : vector<16xf32>
      %get3A_295 = arith.constant 160 : index
      %get3A_296 = tpu.vector_load %arg10[%get3A_295] {strides = array<i32>} : memref<1024xf32, #tpu.memory_space<vmem>>, vector<16xf32>,
      %add3A_297 = arith.addf %add3A_285, %get3A_296 : vector<16xf32>
      %get3A_298 = arith.constant 176 : index
      %get3A_299 = tpu.vector_load %arg10[%get3A_298] {strides = array<i32>} : memref<1024xf32, #tpu.memory_space<vmem>>, vector<16xf32>,
      %add3A_300 = arith.addf %add3A_288, %get3A_299 : vector<16xf32>
      %get3A_301 = arith.constant 192 : index
      %get3A_302 = tpu.vector_load %arg10[%get3A_301] {strides = array<i32>} : memref<1024xf32, #tpu.memory_space<vmem>>, vector<16xf32>,
      %add3A_303 = arith.addf %add3A_291, %get3A_302 : vector<16xf32>
      %get3A_304 = arith.constant 208 : index
      %get3A_305 = tpu.vector_load %arg10[%get3A_304] {strides = array<i32>} : memref<1024xf32, #tpu.memory_space<vmem>>, vector<16xf32>,
      %add3A_306 = arith.addf %add3A_294, %get3A_305 : vector<16xf32>
      %get3A_307 = arith.constant 224 : index
      %get3A_308 = tpu.vector_load %arg10[%get3A_307] {strides = array<i32>} : memref<1024xf32, #tpu.memory_space<vmem>>, vector<16xf32>,
      %add3A_309 = arith.addf %add3A_297, %get3A_308 : vector<16xf32>
      %get3A_310 = arith.constant 240 : index
      %get3A_311 = tpu.vector_load %arg10[%get3A_310] {strides = array<i32>} : memref<1024xf32, #tpu.memory_space<vmem>>, vector<16xf32>,
      %add3A_312 = arith.addf %add3A_300, %get3A_311 : vector<16xf32>
      %get3A_313 = arith.constant 256 : index
      %get3A_314 = tpu.vector_load %arg10[%get3A_313] {strides = array<i32>} : memref<1024xf32, #tpu.memory_space<vmem>>, vector<16xf32>,
      %add3A_315 = arith.addf %add3A_303, %get3A_314 : vector<16xf32>
      %get3A_316 = arith.constant 272 : index
      %get3A_317 = tpu.vector_load %arg10[%get3A_316] {strides = array<i32>} : memref<1024xf32, #tpu.memory_space<vmem>>, vector<16xf32>,
      %add3A_318 = arith.addf %add3A_306, %get3A_317 : vector<16xf32>
      %get3A_319 = arith.constant 288 : index
      %get3A_320 = tpu.vector_load %arg10[%get3A_319] {strides = array<i32>} : memref<1024xf32, #tpu.memory_space<vmem>>, vector<16xf32>,
      %add3A_321 = arith.addf %add3A_309, %get3A_320 : vector<16xf32>
      %get3A_322 = arith.constant 304 : index
      %get3A_323 = tpu.vector_load %arg10[%get3A_322] {strides = array<i32>} : memref<1024xf32, #tpu.memory_space<vmem>>, vector<16xf32>,
      %add3A_324 = arith.addf %add3A_312, %get3A_323 : vector<16xf32>
      %get3A_325 = arith.constant 320 : index
      %get3A_326 = tpu.vector_load %arg10[%get3A_325] {strides = array<i32>} : memref<1024xf32, #tpu.memory_space<vmem>>, vector<16xf32>,
      %add3A_327 = arith.addf %add3A_315, %get3A_326 : vector<16xf32>
      %get3A_328 = arith.constant 336 : index
      %get3A_329 = tpu.vector_load %arg10[%get3A_328] {strides = array<i32>} : memref<1024xf32, #tpu.memory_space<vmem>>, vector<16xf32>,
      %add3A_330 = arith.addf %add3A_318, %get3A_329 : vector<16xf32>
      %get3A_331 = arith.constant 352 : index
      %get3A_332 = tpu.vector_load %arg10[%get3A_331] {strides = array<i32>} : memref<1024xf32, #tpu.memory_space<vmem>>, vector<16xf32>,
      %add3A_333 = arith.addf %add3A_321, %get3A_332 : vector<16xf32>
      %get3A_334 = arith.constant 368 : index
      %get3A_335 = tpu.vector_load %arg10[%get3A_334] {strides = array<i32>} : memref<1024xf32, #tpu.memory_space<vmem>>, vector<16xf32>,
      %add3A_336 = arith.addf %add3A_324, %get3A_335 : vector<16xf32>
      %get3A_337 = arith.constant 384 : index
      %get3A_338 = tpu.vector_load %arg10[%get3A_337] {strides = array<i32>} : memref<1024xf32, #tpu.memory_space<vmem>>, vector<16xf32>,
      %add3A_339 = arith.addf %add3A_327, %get3A_338 : vector<16xf32>
      %get3A_340 = arith.constant 400 : index
      %get3A_341 = tpu.vector_load %arg10[%get3A_340] {strides = array<i32>} : memref<1024xf32, #tpu.memory_space<vmem>>, vector<16xf32>,
      %add3A_342 = arith.addf %add3A_330, %get3A_341 : vector<16xf32>
      %get3A_343 = arith.constant 416 : index
      %get3A_344 = tpu.vector_load %arg10[%get3A_343] {strides = array<i32>} : memref<1024xf32, #tpu.memory_space<vmem>>, vector<16xf32>,
      %add3A_345 = arith.addf %add3A_333, %get3A_344 : vector<16xf32>
      %get3A_346 = arith.constant 432 : index
      %get3A_347 = tpu.vector_load %arg10[%get3A_346] {strides = array<i32>} : memref<1024xf32, #tpu.memory_space<vmem>>, vector<16xf32>,
      %add3A_348 = arith.addf %add3A_336, %get3A_347 : vector<16xf32>
      %get3A_349 = arith.constant 448 : index
      %get3A_350 = tpu.vector_load %arg10[%get3A_349] {strides = array<i32>} : memref<1024xf32, #tpu.memory_space<vmem>>, vector<16xf32>,
      %add3A_351 = arith.addf %add3A_339, %get3A_350 : vector<16xf32>
      %get3A_352 = arith.constant 464 : index
      %get3A_353 = tpu.vector_load %arg10[%get3A_352] {strides = array<i32>} : memref<1024xf32, #tpu.memory_space<vmem>>, vector<16xf32>,
      %add3A_354 = arith.addf %add3A_342, %get3A_353 : vector<16xf32>
      %get3A_355 = arith.constant 480 : index
      %get3A_356 = tpu.vector_load %arg10[%get3A_355] {strides = array<i32>} : memref<1024xf32, #tpu.memory_space<vmem>>, vector<16xf32>,
      %add3A_357 = arith.addf %add3A_345, %get3A_356 : vector<16xf32>
      %get3A_358 = arith.constant 496 : index
      %get3A_359 = tpu.vector_load %arg10[%get3A_358] {strides = array<i32>} : memref<1024xf32, #tpu.memory_space<vmem>>, vector<16xf32>,
      %add3A_360 = arith.addf %add3A_348, %get3A_359 : vector<16xf32>
      %get3A_361 = arith.constant 512 : index
      %get3A_362 = tpu.vector_load %arg10[%get3A_361] {strides = array<i32>} : memref<1024xf32, #tpu.memory_space<vmem>>, vector<16xf32>,
      %add3A_363 = arith.addf %add3A_351, %get3A_362 : vector<16xf32>
      %get3A_364 = arith.constant 528 : index
      %get3A_365 = tpu.vector_load %arg10[%get3A_364] {strides = array<i32>} : memref<1024xf32, #tpu.memory_space<vmem>>, vector<16xf32>,
      %add3A_366 = arith.addf %add3A_354, %get3A_365 : vector<16xf32>
      %get3A_367 = arith.constant 544 : index
      %get3A_368 = tpu.vector_load %arg10[%get3A_367] {strides = array<i32>} : memref<1024xf32, #tpu.memory_space<vmem>>, vector<16xf32>,
      %add3A_369 = arith.addf %add3A_357, %get3A_368 : vector<16xf32>
      %get3A_370 = arith.constant 560 : index
      %get3A_371 = tpu.vector_load %arg10[%get3A_370] {strides = array<i32>} : memref<1024xf32, #tpu.memory_space<vmem>>, vector<16xf32>,
      %add3A_372 = arith.addf %add3A_360, %get3A_371 : vector<16xf32>
      %get3A_373 = arith.constant 576 : index
      %get3A_374 = tpu.vector_load %arg10[%get3A_373] {strides = array<i32>} : memref<1024xf32, #tpu.memory_space<vmem>>, vector<16xf32>,
      %add3A_375 = arith.addf %add3A_363, %get3A_374 : vector<16xf32>
      %get3A_376 = arith.constant 592 : index
      %get3A_377 = tpu.vector_load %arg10[%get3A_376] {strides = array<i32>} : memref<1024xf32, #tpu.memory_space<vmem>>, vector<16xf32>,
      %add3A_378 = arith.addf %add3A_366, %get3A_377 : vector<16xf32>
      %get3A_379 = arith.constant 608 : index
      %get3A_380 = tpu.vector_load %arg10[%get3A_379] {strides = array<i32>} : memref<1024xf32, #tpu.memory_space<vmem>>, vector<16xf32>,
      %add3A_381 = arith.addf %add3A_369, %get3A_380 : vector<16xf32>
      %get3A_382 = arith.constant 624 : index
      %get3A_383 = tpu.vector_load %arg10[%get3A_382] {strides = array<i32>} : memref<1024xf32, #tpu.memory_space<vmem>>, vector<16xf32>,
      %add3A_384 = arith.addf %add3A_372, %get3A_383 : vector<16xf32>
      %get3A_385 = arith.constant 640 : index
      %get3A_386 = tpu.vector_load %arg10[%get3A_385] {strides = array<i32>} : memref<1024xf32, #tpu.memory_space<vmem>>, vector<16xf32>,
      %add3A_387 = arith.addf %add3A_375, %get3A_386 : vector<16xf32>
      %get3A_388 = arith.constant 656 : index
      %get3A_389 = tpu.vector_load %arg10[%get3A_388] {strides = array<i32>} : memref<1024xf32, #tpu.memory_space<vmem>>, vector<16xf32>,
      %add3A_390 = arith.addf %add3A_378, %get3A_389 : vector<16xf32>
      %get3A_391 = arith.constant 672 : index
      %get3A_392 = tpu.vector_load %arg10[%get3A_391] {strides = array<i32>} : memref<1024xf32, #tpu.memory_space<vmem>>, vector<16xf32>,
      %add3A_393 = arith.addf %add3A_381, %get3A_392 : vector<16xf32>
      %get3A_394 = arith.constant 688 : index
      %get3A_395 = tpu.vector_load %arg10[%get3A_394] {strides = array<i32>} : memref<1024xf32, #tpu.memory_space<vmem>>, vector<16xf32>,
      %add3A_396 = arith.addf %add3A_384, %get3A_395 : vector<16xf32>
      %get3A_397 = arith.constant 704 : index
      %get3A_398 = tpu.vector_load %arg10[%get3A_397] {strides = array<i32>} : memref<1024xf32, #tpu.memory_space<vmem>>, vector<16xf32>,
      %add3A_399 = arith.addf %add3A_387, %get3A_398 : vector<16xf32>
      %get3A_400 = arith.constant 720 : index
      %get3A_401 = tpu.vector_load %arg10[%get3A_400] {strides = array<i32>} : memref<1024xf32, #tpu.memory_space<vmem>>, vector<16xf32>,
      %add3A_402 = arith.addf %add3A_390, %get3A_401 : vector<16xf32>
      %get3A_403 = arith.constant 736 : index
      %get3A_404 = tpu.vector_load %arg10[%get3A_403] {strides = array<i32>} : memref<1024xf32, #tpu.memory_space<vmem>>, vector<16xf32>,
      %add3A_405 = arith.addf %add3A_393, %get3A_404 : vector<16xf32>
      %get3A_406 = arith.constant 752 : index
      %get3A_407 = tpu.vector_load %arg10[%get3A_406] {strides = array<i32>} : memref<1024xf32, #tpu.memory_space<vmem>>, vector<16xf32>,
      %add3A_408 = arith.addf %add3A_396, %get3A_407 : vector<16xf32>
      %get3A_409 = arith.constant 768 : index
      %get3A_410 = tpu.vector_load %arg10[%get3A_409] {strides = array<i32>} : memref<1024xf32, #tpu.memory_space<vmem>>, vector<16xf32>,
      %add3A_411 = arith.addf %add3A_399, %get3A_410 : vector<16xf32>
      %get3A_412 = arith.constant 784 : index
      %get3A_413 = tpu.vector_load %arg10[%get3A_412] {strides = array<i32>} : memref<1024xf32, #tpu.memory_space<vmem>>, vector<16xf32>,
      %add3A_414 = arith.addf %add3A_402, %get3A_413 : vector<16xf32>
      %get3A_415 = arith.constant 800 : index
      %get3A_416 = tpu.vector_load %arg10[%get3A_415] {strides = array<i32>} : memref<1024xf32, #tpu.memory_space<vmem>>, vector<16xf32>,
      %add3A_417 = arith.addf %add3A_405, %get3A_416 : vector<16xf32>
      %get3A_418 = arith.constant 816 : index
      %get3A_419 = tpu.vector_load %arg10[%get3A_418] {strides = array<i32>} : memref<1024xf32, #tpu.memory_space<vmem>>, vector<16xf32>,
      %add3A_420 = arith.addf %add3A_408, %get3A_419 : vector<16xf32>
      %get3A_421 = arith.constant 832 : index
      %get3A_422 = tpu.vector_load %arg10[%get3A_421] {strides = array<i32>} : memref<1024xf32, #tpu.memory_space<vmem>>, vector<16xf32>,
      %add3A_423 = arith.addf %add3A_411, %get3A_422 : vector<16xf32>
      %get3A_424 = arith.constant 848 : index
      %get3A_425 = tpu.vector_load %arg10[%get3A_424] {strides = array<i32>} : memref<1024xf32, #tpu.memory_space<vmem>>, vector<16xf32>,
      %add3A_426 = arith.addf %add3A_414, %get3A_425 : vector<16xf32>
      %get3A_427 = arith.constant 864 : index
      %get3A_428 = tpu.vector_load %arg10[%get3A_427] {strides = array<i32>} : memref<1024xf32, #tpu.memory_space<vmem>>, vector<16xf32>,
      %add3A_429 = arith.addf %add3A_417, %get3A_428 : vector<16xf32>
      %get3A_430 = arith.constant 880 : index
      %get3A_431 = tpu.vector_load %arg10[%get3A_430] {strides = array<i32>} : memref<1024xf32, #tpu.memory_space<vmem>>, vector<16xf32>,
      %add3A_432 = arith.addf %add3A_420, %get3A_431 : vector<16xf32>
      %get3A_433 = arith.constant 896 : index
      %get3A_434 = tpu.vector_load %arg10[%get3A_433] {strides = array<i32>} : memref<1024xf32, #tpu.memory_space<vmem>>, vector<16xf32>,
      %add3A_435 = arith.addf %add3A_423, %get3A_434 : vector<16xf32>
      %get3A_436 = arith.constant 912 : index
      %get3A_437 = tpu.vector_load %arg10[%get3A_436] {strides = array<i32>} : memref<1024xf32, #tpu.memory_space<vmem>>, vector<16xf32>,
      %add3A_438 = arith.addf %add3A_426, %get3A_437 : vector<16xf32>
      %get3A_439 = arith.constant 928 : index
      %get3A_440 = tpu.vector_load %arg10[%get3A_439] {strides = array<i32>} : memref<1024xf32, #tpu.memory_space<vmem>>, vector<16xf32>,
      %add3A_441 = arith.addf %add3A_429, %get3A_440 : vector<16xf32>
      %get3A_442 = arith.constant 944 : index
      %get3A_443 = tpu.vector_load %arg10[%get3A_442] {strides = array<i32>} : memref<1024xf32, #tpu.memory_space<vmem>>, vector<16xf32>,
      %add3A_444 = arith.addf %add3A_432, %get3A_443 : vector<16xf32>
      %get3A_445 = arith.constant 960 : index
      %get3A_446 = tpu.vector_load %arg10[%get3A_445] {strides = array<i32>} : memref<1024xf32, #tpu.memory_space<vmem>>, vector<16xf32>,
      %add3A_447 = arith.addf %add3A_435, %get3A_446 : vector<16xf32>
      %get3A_448 = arith.constant 976 : index
      %get3A_449 = tpu.vector_load %arg10[%get3A_448] {strides = array<i32>} : memref<1024xf32, #tpu.memory_space<vmem>>, vector<16xf32>,
      %add3A_450 = arith.addf %add3A_438, %get3A_449 : vector<16xf32>
      %get3A_451 = arith.constant 992 : index
      %get3A_452 = tpu.vector_load %arg10[%get3A_451] {strides = array<i32>} : memref<1024xf32, #tpu.memory_space<vmem>>, vector<16xf32>,
      %add3A_453 = arith.addf %add3A_441, %get3A_452 : vector<16xf32>
      %get3A_454 = arith.constant 1008 : index
      %get3A_455 = tpu.vector_load %arg10[%get3A_454] {strides = array<i32>} : memref<1024xf32, #tpu.memory_space<vmem>>, vector<16xf32>,
      %add3A_456 = arith.addf %add3A_444, %get3A_455 : vector<16xf32>
      %swap3A_457 = arith.constant 0 : index
      %swap3A_458 = tpu.vector_load %arg13[%swap3A_457] {strides = array<i32>} : memref<64xf32, #tpu.memory_space<vmem>>, vector<16xf32>,
      tpu.vector_store %arg13[%swap3A_457], %add3A_447 {strides = array<i32>} : memref<64xf32, #tpu.memory_space<vmem>>, vector<16xf32>,
      %swap3A_459 = arith.constant 16 : index
      %swap3A_460 = tpu.vector_load %arg13[%swap3A_459] {strides = array<i32>} : memref<64xf32, #tpu.memory_space<vmem>>, vector<16xf32>,
      tpu.vector_store %arg13[%swap3A_459], %add3A_450 {strides = array<i32>} : memref<64xf32, #tpu.memory_space<vmem>>, vector<16xf32>,
      %swap3A_461 = arith.constant 32 : index
      %swap3A_462 = tpu.vector_load %arg13[%swap3A_461] {strides = array<i32>} : memref<64xf32, #tpu.memory_space<vmem>>, vector<16xf32>,
      tpu.vector_store %arg13[%swap3A_461], %add3A_453 {strides = array<i32>} : memref<64xf32, #tpu.memory_space<vmem>>, vector<16xf32>,
      %swap3A_463 = arith.constant 48 : index
      %swap3A_464 = tpu.vector_load %arg13[%swap3A_463] {strides = array<i32>} : memref<64xf32, #tpu.memory_space<vmem>>, vector<16xf32>,
      tpu.vector_store %arg13[%swap3A_463], %add3A_456 {strides = array<i32>} : memref<64xf32, #tpu.memory_space<vmem>>, vector<16xf32>,
      "tpu.region"() ({
        %run_scoped3A = tpu.sem_alloc : memref<!tpu.dma_semaphore, #tpu.memory_space<semaphore_mem>>
        tpu.enqueue_dma source(%arg13 : memref<64xf32, #tpu.memory_space<vmem>>) target(%arg4 : memref<64xf32, #tpu.memory_space<hbm>>) target_semaphore(%run_scoped3A : memref<!tpu.dma_semaphore, #tpu.memory_space<semaphore_mem>>)
        tpu.wait_dma2 semaphore(%run_scoped3A : memref<!tpu.dma_semaphore, #tpu.memory_space<semaphore_mem>>) src(%arg13 : memref<64xf32, #tpu.memory_space<vmem>>) dst(%arg4 : memref<64xf32, #tpu.memory_space<hbm>>)
        tpu.yield
      }) : () -> ()
    } else {
    }
    return
  }
}

module attributes {stable_mosaic.version = 14 : i64} {
  func.func @_token_kernel(%arg0: i32, %arg1: memref<512x1024xf32, #tpu.memory_space<vmem>>, %arg2: memref<1024x1024xf32, #tpu.memory_space<vmem>>, %arg3: memref<1024x1024xf32, #tpu.memory_space<vmem>>, %arg4: memref<1x1024xf32, #tpu.memory_space<vmem>>, %arg5: memref<64x1024xf32, #tpu.memory_space<vmem>>, %arg6: memref<512x1024xf32, #tpu.memory_space<vmem>>, %arg7: memref<512x64xf32, #tpu.memory_space<vmem>>, %arg8: memref<1024x1024xf32, #tpu.memory_space<vmem>>) attributes {dimension_semantics = [#tpu.dimension_semantics<arbitrary>], iteration_bounds = array<i64: 4>, scalar_prefetch = 0 : i64, scratch_operands = 1 : i64, tpu.core_type = #tpu.core_type<tc>, window_params = [{transform_indices = @transform_0, window_bounds = array<i64: 512, 1024>}, {pipeline_mode = #tpu.pipeline_mode<synchronous>, transform_indices = @transform_1, window_bounds = array<i64: 1024, 1024>}, {pipeline_mode = #tpu.pipeline_mode<synchronous>, transform_indices = @transform_2, window_bounds = array<i64: 1024, 1024>}, {pipeline_mode = #tpu.pipeline_mode<synchronous>, transform_indices = @transform_3, window_bounds = array<i64: 1, 1024>}, {pipeline_mode = #tpu.pipeline_mode<synchronous>, transform_indices = @transform_4, window_bounds = array<i64: 64, 1024>}, {transform_indices = @transform_5, window_bounds = array<i64: 512, 1024>}, {transform_indices = @transform_6, window_bounds = array<i64: 512, 64>}]} {
    %eq3A = arith.constant 0 : i32
    %eq3A_0 = arith.cmpi eq, %arg0, %eq3A : i32
    %convert_element_type3A = arith.extui %eq3A_0 : i1 to i32
    %cond3A = arith.constant 0 : i32
    %cond3A_1 = arith.cmpi ne, %convert_element_type3A, %cond3A : i32
    scf.if %cond3A_1 {
      %get3A_33 = arith.constant 0 : index
      %get3A_34 = arith.constant 0 : index
      %get3A_35 = vector.load %arg2[%get3A_33, %get3A_34] : memref<1024x1024xf32, #tpu.memory_space<vmem>>, vector<1024x1024xf32>
      %mul3A_36 = arith.mulf %get3A_35, %get3A_35 : vector<1024x1024xf32>
      %reduce_sum3A = arith.constant dense<0.000000e+00> : vector<1024xf32>
      %reduce_sum3A_37 = vector.multi_reduction <add>, %mul3A_36, %reduce_sum3A [0] : vector<1024x1024xf32> to vector<1024xf32>
      %broadcast_in_dim3A = vector.shape_cast %reduce_sum3A_37 : vector<1024xf32> to vector<1x1024xf32>
      %sqrt3A = math.sqrt %broadcast_in_dim3A : vector<1x1024xf32>
      %max3A = arith.constant 9.99999996E-13 : f32
      %max3A_38 = vector.broadcast %max3A : f32 to vector<1x1024xf32>
      %max3A_39 = arith.maximumf %sqrt3A, %max3A_38 : vector<1x1024xf32>
      %div3A = vector.broadcast %max3A_39 : vector<1x1024xf32> to vector<1024x1024xf32>
      %div3A_40 = arith.divf %get3A_35, %div3A : vector<1024x1024xf32>
      %swap3A_41 = arith.constant 0 : index
      %swap3A_42 = arith.constant 0 : index
      %swap3A_43 = vector.load %arg8[%swap3A_41, %swap3A_42] : memref<1024x1024xf32, #tpu.memory_space<vmem>>, vector<1024x1024xf32>
      tpu.vector_store %arg8[%swap3A_41, %swap3A_42], %div3A_40 {strides = array<i32>} : memref<1024x1024xf32, #tpu.memory_space<vmem>>, vector<1024x1024xf32>,
    } else {
    }
    %get3A = arith.constant 0 : index
    %get3A_2 = arith.constant 0 : index
    %get3A_3 = vector.load %arg8[%get3A, %get3A_2] : memref<1024x1024xf32, #tpu.memory_space<vmem>>, vector<1024x1024xf32>
    %get3A_4 = arith.constant 0 : index
    %get3A_5 = arith.constant 0 : index
    %get3A_6 = vector.load %arg1[%get3A_4, %get3A_5] : memref<512x1024xf32, #tpu.memory_space<vmem>>, vector<512x1024xf32>
    %dot_general3A = arith.constant dense<0.000000e+00> : vector<512x1024xf32>
    %dot_general3A_7 = tpu.matmul %get3A_6, %get3A_3, %dot_general3A {dimension_numbers = #tpu.dot_dimension_numbers<[1], [0], [0], [1], [0, 0, 1, 1], [], []>, transpose_lhs_hint = false} : vector<512x1024xf32>, vector<1024x1024xf32>, vector<512x1024xf32> -> vector<512x1024xf32>
    %get3A_8 = arith.constant 0 : index
    %get3A_9 = arith.constant 0 : index
    %get3A_10 = vector.load %arg5[%get3A_8, %get3A_9] : memref<64x1024xf32, #tpu.memory_space<vmem>>, vector<64x1024xf32>
    %mul3A = arith.mulf %dot_general3A_7, %dot_general3A_7 : vector<512x1024xf32>
    %dot_general3A_11 = arith.constant dense<0.000000e+00> : vector<512x64xf32>
    %dot_general3A_12 = tpu.matmul %mul3A, %get3A_10, %dot_general3A_11 {dimension_numbers = #tpu.dot_dimension_numbers<[1], [1], [0], [0], [0, 0, 1, 0], [], []>, precision = #tpu.contract_precision<fp32>, transpose_lhs_hint = false} : vector<512x1024xf32>, vector<64x1024xf32>, vector<512x64xf32> -> vector<512x64xf32>
    %swap3A = arith.constant 0 : index
    %swap3A_13 = arith.constant 0 : index
    %swap3A_14 = vector.load %arg7[%swap3A, %swap3A_13] : memref<512x64xf32, #tpu.memory_space<vmem>>, vector<512x64xf32>
    tpu.vector_store %arg7[%swap3A, %swap3A_13], %dot_general3A_12 {strides = array<i32>} : memref<512x64xf32, #tpu.memory_space<vmem>>, vector<512x64xf32>,
    %get3A_15 = arith.constant 0 : index
    %get3A_16 = arith.constant 0 : index
    %get3A_17 = vector.load %arg4[%get3A_15, %get3A_16] : memref<1x1024xf32, #tpu.memory_space<vmem>>, vector<1x1024xf32>
    %tanh3A = math.tanh %get3A_17 : vector<1x1024xf32>
    %mul3A_18 = arith.constant 1.000000e+00 : f32
    %mul3A_19 = vector.broadcast %mul3A_18 : f32 to vector<1x1024xf32>
    %mul3A_20 = arith.mulf %tanh3A, %mul3A_19 : vector<1x1024xf32>
    %abs3A = math.absf %mul3A_20 : vector<1x1024xf32>
    %reduce_max3A = vector.shape_cast %abs3A : vector<1x1024xf32> to vector<1x1x1024xf32>
    %reduce_max3A_21 = arith.constant dense<0xFF800000> : vector<1xf32>
    %reduce_max3A_22 = vector.multi_reduction <maximumf>, %reduce_max3A, %reduce_max3A_21 [1, 2] : vector<1x1x1024xf32> to vector<1xf32>
    %reduce_max3A_23 = vector.shape_cast %reduce_max3A_22 : vector<1xf32> to vector<1x1x1xf32>
    %reduce_max3A_24 = vector.extract %reduce_max3A_23[0, 0, 0] : f32 from vector<1x1x1xf32>
    %gt3A = arith.constant 0.000000e+00 : f32
    %gt3A_25 = arith.cmpf ogt, %reduce_max3A_24, %gt3A : f32
    %convert_element_type3A_26 = arith.extui %gt3A_25 : i1 to i32
    %cond3A_27 = arith.constant 0 : i32
    %cond3A_28 = arith.cmpi ne, %convert_element_type3A_26, %cond3A_27 : i32
    scf.if %cond3A_28 {
      %iota3A = tpu.iota {dimensions = array<i32: 1>} : vector<512x64xi32>
      %reduce_max3A_33 = arith.constant dense<0xFF800000> : vector<512xf32>
      %reduce_max3A_34 = vector.multi_reduction <maximumf>, %dot_general3A_12, %reduce_max3A_33 [1] : vector<512x64xf32> to vector<512xf32>
      %broadcast_in_dim3A = vector.shape_cast %reduce_max3A_34 : vector<512xf32> to vector<512x1xf32>
      %eq3A_35 = vector.broadcast %broadcast_in_dim3A : vector<512x1xf32> to vector<512x64xf32>
      %eq3A_36 = arith.cmpf oeq, %dot_general3A_12, %eq3A_35 : vector<512x64xf32>
      %jit3A = arith.constant 64 : i32
      %broadcast_in_dim3A_37 = vector.broadcast %jit3A : i32 to vector<512x64xi32>
      %select_n3A = arith.select %eq3A_36, %iota3A, %broadcast_in_dim3A_37 : vector<512x64xi1>, vector<512x64xi32>
      %reduce_min3A = arith.constant dense<2147483647> : vector<512xi32>
      %reduce_min3A_38 = vector.multi_reduction <minsi>, %select_n3A, %reduce_min3A [1] : vector<512x64xi32> to vector<512xi32>
      %broadcast_in_dim3A_39 = vector.shape_cast %reduce_min3A_38 : vector<512xi32> to vector<512x1xi32>
      %eq3A_40 = vector.broadcast %broadcast_in_dim3A_39 : vector<512x1xi32> to vector<512x64xi32>
      %eq3A_41 = arith.cmpi eq, %iota3A, %eq3A_40 : vector<512x64xi32>
      %jit3A_42 = arith.constant -1.000000e+00 : f32
      %broadcast_in_dim3A_43 = vector.broadcast %jit3A_42 : f32 to vector<512x64xf32>
      %select_n3A_44 = arith.select %eq3A_41, %broadcast_in_dim3A_43, %dot_general3A_12 : vector<512x64xi1>, vector<512x64xf32>
      %reduce_max3A_45 = arith.constant dense<0xFF800000> : vector<512xf32>
      %reduce_max3A_46 = vector.multi_reduction <maximumf>, %select_n3A_44, %reduce_max3A_45 [1] : vector<512x64xf32> to vector<512xf32>
      %broadcast_in_dim3A_47 = vector.shape_cast %reduce_max3A_46 : vector<512xf32> to vector<512x1xf32>
      %eq3A_48 = vector.broadcast %broadcast_in_dim3A_47 : vector<512x1xf32> to vector<512x64xf32>
      %eq3A_49 = arith.cmpf oeq, %select_n3A_44, %eq3A_48 : vector<512x64xf32>
      %jit3A_50 = arith.constant 64 : i32
      %broadcast_in_dim3A_51 = vector.broadcast %jit3A_50 : i32 to vector<512x64xi32>
      %select_n3A_52 = arith.select %eq3A_49, %iota3A, %broadcast_in_dim3A_51 : vector<512x64xi1>, vector<512x64xi32>
      %reduce_min3A_53 = arith.constant dense<2147483647> : vector<512xi32>
      %reduce_min3A_54 = vector.multi_reduction <minsi>, %select_n3A_52, %reduce_min3A_53 [1] : vector<512x64xi32> to vector<512xi32>
      %broadcast_in_dim3A_55 = vector.shape_cast %reduce_min3A_54 : vector<512xi32> to vector<512x1xi32>
      %eq3A_56 = vector.broadcast %broadcast_in_dim3A_55 : vector<512x1xi32> to vector<512x64xi32>
      %eq3A_57 = arith.cmpi eq, %iota3A, %eq3A_56 : vector<512x64xi32>
      %or3A = arith.ori %eq3A_41, %eq3A_57 : vector<512x64xi1>
      %convert_element_type3A_58 = arith.extui %or3A : vector<512x64xi1> to vector<512x64xi32>
      %convert_element_type3A_59 = arith.sitofp %convert_element_type3A_58 : vector<512x64xi32> to vector<512x64xf32>
      %get3A_60 = arith.constant 0 : index
      %get3A_61 = arith.constant 0 : index
      %get3A_62 = vector.load %arg3[%get3A_60, %get3A_61] : memref<1024x1024xf32, #tpu.memory_space<vmem>>, vector<1024x1024xf32>
      %broadcast_in_dim3A_63 = arith.constant 1.000000e+00 : f32
      %broadcast_in_dim3A_64 = vector.broadcast %broadcast_in_dim3A_63 : f32 to vector<1x1024xf32>
      %mul3A_65 = arith.mulf %get3A_62, %get3A_62 : vector<1024x1024xf32>
      %dot_general3A_66 = arith.constant dense<0.000000e+00> : vector<1x1024xf32>
      %dot_general3A_67 = tpu.matmul %broadcast_in_dim3A_64, %mul3A_65, %dot_general3A_66 {dimension_numbers = #tpu.dot_dimension_numbers<[1], [1], [0], [0], [0, 0, 1, 0], [], []>, transpose_lhs_hint = false} : vector<1x1024xf32>, vector<1024x1024xf32>, vector<1x1024xf32> -> vector<1x1024xf32>
      %sqrt3A = math.sqrt %dot_general3A_67 : vector<1x1024xf32>
      %max3A = arith.constant 9.99999996E-13 : f32
      %max3A_68 = vector.broadcast %max3A : f32 to vector<1x1024xf32>
      %max3A_69 = arith.maximumf %sqrt3A, %max3A_68 : vector<1x1024xf32>
      %div3A = arith.divf %mul3A_20, %max3A_69 : vector<1x1024xf32>
      %mul3A_70 = vector.broadcast %div3A : vector<1x1024xf32> to vector<64x1024xf32>
      %mul3A_71 = arith.mulf %get3A_10, %mul3A_70 : vector<64x1024xf32>
      %dot_general3A_72 = arith.constant dense<0.000000e+00> : vector<512x1024xf32>
      %dot_general3A_73 = tpu.matmul %convert_element_type3A_59, %mul3A_71, %dot_general3A_72 {dimension_numbers = #tpu.dot_dimension_numbers<[1], [0], [0], [1], [0, 0, 1, 1], [], []>, transpose_lhs_hint = false} : vector<512x64xf32>, vector<64x1024xf32>, vector<512x1024xf32> -> vector<512x1024xf32>
      %mul3A_74 = arith.mulf %dot_general3A_7, %dot_general3A_73 : vector<512x1024xf32>
      %dot_general3A_75 = arith.constant dense<0.000000e+00> : vector<512x1024xf32>
      %dot_general3A_76 = tpu.matmul %mul3A_74, %get3A_62, %dot_general3A_75 {dimension_numbers = #tpu.dot_dimension_numbers<[1], [0], [0], [1], [0, 0, 1, 1], [], []>, transpose_lhs_hint = false} : vector<512x1024xf32>, vector<1024x1024xf32>, vector<512x1024xf32> -> vector<512x1024xf32>
      %add3A = arith.addf %get3A_6, %dot_general3A_76 : vector<512x1024xf32>
      %swap3A_77 = arith.constant 0 : index
      %swap3A_78 = arith.constant 0 : index
      %swap3A_79 = vector.load %arg6[%swap3A_77, %swap3A_78] : memref<512x1024xf32, #tpu.memory_space<vmem>>, vector<512x1024xf32>
      tpu.vector_store %arg6[%swap3A_77, %swap3A_78], %add3A {strides = array<i32>} : memref<512x1024xf32, #tpu.memory_space<vmem>>, vector<512x1024xf32>,
    } else {
    }
    %not3A = arith.constant true
    %not3A_29 = arith.xori %gt3A_25, %not3A : i1
    %convert_element_type3A_30 = arith.extui %not3A_29 : i1 to i32
    %cond3A_31 = arith.constant 0 : i32
    %cond3A_32 = arith.cmpi ne, %convert_element_type3A_30, %cond3A_31 : i32
    scf.if %cond3A_32 {
      %swap3A_33 = arith.constant 0 : index
      %swap3A_34 = arith.constant 0 : index
      %swap3A_35 = vector.load %arg6[%swap3A_33, %swap3A_34] : memref<512x1024xf32, #tpu.memory_space<vmem>>, vector<512x1024xf32>
      tpu.vector_store %arg6[%swap3A_33, %swap3A_34], %get3A_6 {strides = array<i32>} : memref<512x1024xf32, #tpu.memory_space<vmem>>, vector<512x1024xf32>,
    } else {
    }
    return
  }
  func.func @transform_0(%arg0: i32) -> (i32, i32) {
    %c0_i32 = arith.constant 0 : i32
    %c0_i32_0 = arith.constant 0 : i32
    return %arg0, %c0_i32 : i32, i32
  }
  func.func @transform_1(%arg0: i32) -> (i32, i32) {
    %c0_i32 = arith.constant 0 : i32
    %c0_i32_0 = arith.constant 0 : i32
    %c0_i32_1 = arith.constant 0 : i32
    return %c0_i32, %c0_i32_0 : i32, i32
  }
  func.func @transform_2(%arg0: i32) -> (i32, i32) {
    %c0_i32 = arith.constant 0 : i32
    %c0_i32_0 = arith.constant 0 : i32
    %c0_i32_1 = arith.constant 0 : i32
    return %c0_i32, %c0_i32_0 : i32, i32
  }
  func.func @transform_3(%arg0: i32) -> (i32, i32) {
    %c0_i32 = arith.constant 0 : i32
    %c0_i32_0 = arith.constant 0 : i32
    %c0_i32_1 = arith.constant 0 : i32
    return %c0_i32, %c0_i32_0 : i32, i32
  }
  func.func @transform_4(%arg0: i32) -> (i32, i32) {
    %c0_i32 = arith.constant 0 : i32
    %c0_i32_0 = arith.constant 0 : i32
    %c0_i32_1 = arith.constant 0 : i32
    return %c0_i32, %c0_i32_0 : i32, i32
  }
  func.func @transform_5(%arg0: i32) -> (i32, i32) {
    %c0_i32 = arith.constant 0 : i32
    %c0_i32_0 = arith.constant 0 : i32
    return %arg0, %c0_i32 : i32, i32
  }
  func.func @transform_6(%arg0: i32) -> (i32, i32) {
    %c0_i32 = arith.constant 0 : i32
    %c0_i32_0 = arith.constant 0 : i32
    return %arg0, %c0_i32 : i32, i32
  }
}

module attributes {stable_mosaic.version = 14 : i64} {
  func.func @_gram_kernel(%arg0: memref<1024x1024xf32, #tpu.memory_space<vmem>>, %arg1: memref<1024x1024xf32, #tpu.memory_space<vmem>>, %arg2: memref<1x1024xf32, #tpu.memory_space<vmem>>, %arg3: memref<64x1024xf32, #tpu.memory_space<vmem>>, %arg4: memref<16x1024xf32, #tpu.memory_space<vmem>>, %arg5: memref<1x1xf32, #tpu.memory_space<vmem>>, %arg6: memref<1x1xf32, #tpu.memory_space<vmem>>) attributes {dimension_semantics = [], scalar_prefetch = 0 : i64, scratch_operands = 0 : i64, tpu.core_type = #tpu.core_type<tc>} {
    %get3A = arith.constant 0 : index
    %get3A_0 = arith.constant 0 : index
    %get3A_1 = vector.load %arg0[%get3A, %get3A_0] : memref<1024x1024xf32, #tpu.memory_space<vmem>>, vector<1024x1024xf32>
    %mul3A = arith.mulf %get3A_1, %get3A_1 : vector<1024x1024xf32>
    %reduce_sum3A = arith.constant dense<0.000000e+00> : vector<1024xf32>
    %reduce_sum3A_2 = vector.multi_reduction <add>, %mul3A, %reduce_sum3A [0] : vector<1024x1024xf32> to vector<1024xf32>
    %broadcast_in_dim3A = vector.shape_cast %reduce_sum3A_2 : vector<1024xf32> to vector<1x1024xf32>
    %sqrt3A = math.sqrt %broadcast_in_dim3A : vector<1x1024xf32>
    %max3A = arith.constant 9.99999996E-13 : f32
    %max3A_3 = vector.broadcast %max3A : f32 to vector<1x1024xf32>
    %max3A_4 = arith.maximumf %sqrt3A, %max3A_3 : vector<1x1024xf32>
    %div3A = vector.broadcast %max3A_4 : vector<1x1024xf32> to vector<1024x1024xf32>
    %div3A_5 = arith.divf %get3A_1, %div3A : vector<1024x1024xf32>
    %convert_element_type3A = arith.truncf %div3A_5 : vector<1024x1024xf32> to vector<1024x1024xbf16>
    %dot_general3A = arith.constant dense<0.000000e+00> : vector<1024x1024xf32>
    %dot_general3A_6 = tpu.matmul %convert_element_type3A, %convert_element_type3A, %dot_general3A {dimension_numbers = #tpu.dot_dimension_numbers<[0], [0], [1], [1], [0, 1, 1, 1], [], []>, transpose_lhs_hint = false} : vector<1024x1024xbf16>, vector<1024x1024xbf16>, vector<1024x1024xf32> -> vector<1024x1024xf32>
    %iota3A = tpu.iota {dimensions = array<i32: 0>} : vector<1024x1024xi32>
    %iota3A_7 = tpu.iota {dimensions = array<i32: 1>} : vector<1024x1024xi32>
    %eq3A = arith.cmpi eq, %iota3A, %iota3A_7 : vector<1024x1024xi32>
    %convert_element_type3A_8 = arith.extui %eq3A : vector<1024x1024xi1> to vector<1024x1024xi32>
    %convert_element_type3A_9 = arith.sitofp %convert_element_type3A_8 : vector<1024x1024xi32> to vector<1024x1024xf32>
    %sub3A = arith.subf %dot_general3A_6, %convert_element_type3A_9 : vector<1024x1024xf32>
    %abs3A = math.absf %sub3A : vector<1024x1024xf32>
    %reduce_sum3A_10 = vector.shape_cast %abs3A : vector<1024x1024xf32> to vector<1x1024x1024xf32>
    %reduce_sum3A_11 = arith.constant dense<0.000000e+00> : vector<1xf32>
    %reduce_sum3A_12 = vector.multi_reduction <add>, %reduce_sum3A_10, %reduce_sum3A_11 [1, 2] : vector<1x1024x1024xf32> to vector<1xf32>
    %reduce_sum3A_13 = vector.shape_cast %reduce_sum3A_12 : vector<1xf32> to vector<1x1x1xf32>
    %reduce_sum3A_14 = vector.extract %reduce_sum3A_13[0, 0, 0] : f32 from vector<1x1x1xf32>
    %broadcast_in_dim3A_15 = vector.broadcast %reduce_sum3A_14 : f32 to vector<1x1xf32>
    %mul3A_16 = arith.constant 3.05175781E-5 : f32
    %mul3A_17 = vector.broadcast %mul3A_16 : f32 to vector<1x1xf32>
    %mul3A_18 = arith.mulf %broadcast_in_dim3A_15, %mul3A_17 : vector<1x1xf32>
    %swap3A = arith.constant 0 : index
    %swap3A_19 = arith.constant 0 : index
    %swap3A_20 = vector.load %arg5[%swap3A, %swap3A_19] : memref<1x1xf32, #tpu.memory_space<vmem>>, vector<1x1xf32>
    tpu.vector_store %arg5[%swap3A, %swap3A_19], %mul3A_18 {strides = array<i32>} : memref<1x1xf32, #tpu.memory_space<vmem>>, vector<1x1xf32>,
    %get3A_21 = arith.constant 0 : index
    %get3A_22 = arith.constant 0 : index
    %get3A_23 = vector.load %arg2[%get3A_21, %get3A_22] : memref<1x1024xf32, #tpu.memory_space<vmem>>, vector<1x1024xf32>
    %tanh3A = math.tanh %get3A_23 : vector<1x1024xf32>
    %mul3A_24 = arith.constant 1.000000e+00 : f32
    %mul3A_25 = vector.broadcast %mul3A_24 : f32 to vector<1x1024xf32>
    %mul3A_26 = arith.mulf %tanh3A, %mul3A_25 : vector<1x1024xf32>
    %abs3A_27 = math.absf %mul3A_26 : vector<1x1024xf32>
    %reduce_max3A = vector.shape_cast %abs3A_27 : vector<1x1024xf32> to vector<1x1x1024xf32>
    %reduce_max3A_28 = arith.constant dense<0xFF800000> : vector<1xf32>
    %reduce_max3A_29 = vector.multi_reduction <maximumf>, %reduce_max3A, %reduce_max3A_28 [1, 2] : vector<1x1x1024xf32> to vector<1xf32>
    %reduce_max3A_30 = vector.shape_cast %reduce_max3A_29 : vector<1xf32> to vector<1x1x1xf32>
    %reduce_max3A_31 = vector.extract %reduce_max3A_30[0, 0, 0] : f32 from vector<1x1x1xf32>
    %gt3A = arith.constant 0.000000e+00 : f32
    %gt3A_32 = arith.cmpf ogt, %reduce_max3A_31, %gt3A : f32
    %convert_element_type3A_33 = arith.extui %gt3A_32 : i1 to i32
    %cond3A = arith.constant 0 : i32
    %cond3A_34 = arith.cmpi ne, %convert_element_type3A_33, %cond3A : i32
    scf.if %cond3A_34 {
      %get3A_39 = arith.constant 0 : index
      %get3A_40 = arith.constant 0 : index
      %get3A_41 = vector.load %arg1[%get3A_39, %get3A_40] : memref<1024x1024xf32, #tpu.memory_space<vmem>>, vector<1024x1024xf32>
      %get3A_42 = arith.constant 0 : index
      %get3A_43 = arith.constant 0 : index
      %get3A_44 = vector.load %arg3[%get3A_42, %get3A_43] : memref<64x1024xf32, #tpu.memory_space<vmem>>, vector<64x1024xf32>
      %get3A_45 = arith.constant 0 : index
      %get3A_46 = arith.constant 0 : index
      %get3A_47 = vector.load %arg4[%get3A_45, %get3A_46] : memref<16x1024xf32, #tpu.memory_space<vmem>>, vector<16x1024xf32>
      %mul3A_48 = arith.mulf %get3A_41, %get3A_41 : vector<1024x1024xf32>
      %dot_general3A_49 = arith.constant dense<0.000000e+00> : vector<64x1024xf32>
      %dot_general3A_50 = tpu.matmul %get3A_44, %mul3A_48, %dot_general3A_49 {dimension_numbers = #tpu.dot_dimension_numbers<[1], [0], [0], [1], [0, 0, 1, 1], [], []>, transpose_lhs_hint = false} : vector<64x1024xf32>, vector<1024x1024xf32>, vector<64x1024xf32> -> vector<64x1024xf32>
      %dot_general3A_51 = arith.constant dense<0.000000e+00> : vector<64x16xf32>
      %dot_general3A_52 = tpu.matmul %dot_general3A_50, %get3A_47, %dot_general3A_51 {dimension_numbers = #tpu.dot_dimension_numbers<[1], [1], [0], [0], [0, 0, 1, 0], [], []>, transpose_lhs_hint = false} : vector<64x1024xf32>, vector<16x1024xf32>, vector<64x16xf32> -> vector<64x16xf32>
      %mul3A_53 = vector.broadcast %get3A_23 : vector<1x1024xf32> to vector<64x1024xf32>
      %mul3A_54 = arith.mulf %get3A_44, %mul3A_53 : vector<64x1024xf32>
      %dot_general3A_55 = arith.constant dense<0.000000e+00> : vector<64x16xf32>
      %dot_general3A_56 = tpu.matmul %mul3A_54, %get3A_47, %dot_general3A_55 {dimension_numbers = #tpu.dot_dimension_numbers<[1], [1], [0], [0], [0, 0, 1, 0], [], []>, transpose_lhs_hint = false} : vector<64x1024xf32>, vector<16x1024xf32>, vector<64x16xf32> -> vector<64x16xf32>
      %tanh3A_57 = math.tanh %dot_general3A_56 : vector<64x16xf32>
      %mul3A_58 = arith.constant 1.000000e+00 : f32
      %mul3A_59 = vector.broadcast %mul3A_58 : f32 to vector<64x16xf32>
      %mul3A_60 = arith.mulf %tanh3A_57, %mul3A_59 : vector<64x16xf32>
      %sqrt3A_61 = math.sqrt %dot_general3A_52 : vector<64x16xf32>
      %max3A_62 = arith.constant 9.99999996E-13 : f32
      %max3A_63 = vector.broadcast %max3A_62 : f32 to vector<64x16xf32>
      %max3A_64 = arith.maximumf %sqrt3A_61, %max3A_63 : vector<64x16xf32>
      %div3A_65 = arith.divf %mul3A_60, %max3A_64 : vector<64x16xf32>
      %dot_general3A_66 = arith.constant dense<0.000000e+00> : vector<64x1024xf32>
      %dot_general3A_67 = tpu.matmul %div3A_65, %get3A_47, %dot_general3A_66 {dimension_numbers = #tpu.dot_dimension_numbers<[1], [0], [0], [1], [0, 0, 1, 1], [], []>, transpose_lhs_hint = false} : vector<64x16xf32>, vector<16x1024xf32>, vector<64x1024xf32> -> vector<64x1024xf32>
      %dot_general3A_68 = arith.constant dense<0.000000e+00> : vector<1024x1024xf32>
      %dot_general3A_69 = tpu.matmul %get3A_44, %dot_general3A_67, %dot_general3A_68 {dimension_numbers = #tpu.dot_dimension_numbers<[0], [0], [1], [1], [0, 1, 1, 1], [], []>, transpose_lhs_hint = false} : vector<64x1024xf32>, vector<64x1024xf32>, vector<1024x1024xf32> -> vector<1024x1024xf32>
      %mul3A_70 = arith.mulf %get3A_41, %dot_general3A_69 : vector<1024x1024xf32>
      %dot_general3A_71 = arith.constant dense<0.000000e+00> : vector<1024x1024xf32>
      %dot_general3A_72 = tpu.matmul %mul3A_70, %mul3A_70, %dot_general3A_71 {dimension_numbers = #tpu.dot_dimension_numbers<[0], [0], [1], [1], [0, 1, 1, 1], [], []>, transpose_lhs_hint = false} : vector<1024x1024xf32>, vector<1024x1024xf32>, vector<1024x1024xf32> -> vector<1024x1024xf32>
      %sub3A_73 = arith.subf %dot_general3A_72, %convert_element_type3A_9 : vector<1024x1024xf32>
      %abs3A_74 = math.absf %sub3A_73 : vector<1024x1024xf32>
      %reduce_sum3A_75 = vector.shape_cast %abs3A_74 : vector<1024x1024xf32> to vector<1x1024x1024xf32>
      %reduce_sum3A_76 = arith.constant dense<0.000000e+00> : vector<1xf32>
      %reduce_sum3A_77 = vector.multi_reduction <add>, %reduce_sum3A_75, %reduce_sum3A_76 [1, 2] : vector<1x1024x1024xf32> to vector<1xf32>
      %reduce_sum3A_78 = vector.shape_cast %reduce_sum3A_77 : vector<1xf32> to vector<1x1x1xf32>
      %reduce_sum3A_79 = vector.extract %reduce_sum3A_78[0, 0, 0] : f32 from vector<1x1x1xf32>
      %broadcast_in_dim3A_80 = vector.broadcast %reduce_sum3A_79 : f32 to vector<1x1xf32>
      %mul3A_81 = arith.constant 3.05175781E-5 : f32
      %mul3A_82 = vector.broadcast %mul3A_81 : f32 to vector<1x1xf32>
      %mul3A_83 = arith.mulf %broadcast_in_dim3A_80, %mul3A_82 : vector<1x1xf32>
      %swap3A_84 = arith.constant 0 : index
      %swap3A_85 = arith.constant 0 : index
      %swap3A_86 = vector.load %arg6[%swap3A_84, %swap3A_85] : memref<1x1xf32, #tpu.memory_space<vmem>>, vector<1x1xf32>
      tpu.vector_store %arg6[%swap3A_84, %swap3A_85], %mul3A_83 {strides = array<i32>} : memref<1x1xf32, #tpu.memory_space<vmem>>, vector<1x1xf32>,
    } else {
    }
    %not3A = arith.constant true
    %not3A_35 = arith.xori %gt3A_32, %not3A : i1
    %convert_element_type3A_36 = arith.extui %not3A_35 : i1 to i32
    %cond3A_37 = arith.constant 0 : i32
    %cond3A_38 = arith.cmpi ne, %convert_element_type3A_36, %cond3A_37 : i32
    scf.if %cond3A_38 {
      %reduce_sum3A_39 = vector.shape_cast %convert_element_type3A_9 : vector<1024x1024xf32> to vector<1x1024x1024xf32>
      %reduce_sum3A_40 = arith.constant dense<0.000000e+00> : vector<1xf32>
      %reduce_sum3A_41 = vector.multi_reduction <add>, %reduce_sum3A_39, %reduce_sum3A_40 [1, 2] : vector<1x1024x1024xf32> to vector<1xf32>
      %reduce_sum3A_42 = vector.shape_cast %reduce_sum3A_41 : vector<1xf32> to vector<1x1x1xf32>
      %reduce_sum3A_43 = vector.extract %reduce_sum3A_42[0, 0, 0] : f32 from vector<1x1x1xf32>
      %broadcast_in_dim3A_44 = vector.broadcast %reduce_sum3A_43 : f32 to vector<1x1xf32>
      %mul3A_45 = arith.constant 3.05175781E-5 : f32
      %mul3A_46 = vector.broadcast %mul3A_45 : f32 to vector<1x1xf32>
      %mul3A_47 = arith.mulf %broadcast_in_dim3A_44, %mul3A_46 : vector<1x1xf32>
      %swap3A_48 = arith.constant 0 : index
      %swap3A_49 = arith.constant 0 : index
      %swap3A_50 = vector.load %arg6[%swap3A_48, %swap3A_49] : memref<1x1xf32, #tpu.memory_space<vmem>>, vector<1x1xf32>
      tpu.vector_store %arg6[%swap3A_48, %swap3A_49], %mul3A_47 {strides = array<i32>} : memref<1x1xf32, #tpu.memory_space<vmem>>, vector<1x1xf32>,
    } else {
    }
    return
  }
}

</mosaic_0001>

<sc_bundles>
// kernel: kernel.5.cloned.1.call-start
scs
__scs_entry_jumppad:
0x0: {  	(pc) =	sbr.rel $0x88, $3  }
0x1: {  	(tag) =	ssettag $0x0;
	lr =	simm.s32 $0x1  }
0x2: {  	[smem:$0x3F9D] =	sst lr;
	_ =	strace $0xD0000000  }
0x3: {  	_ = 	snop  }
0x4: {  	_ = 	snop  }
0x5: {  	_ = 	snop  }
0x6: {  	_ = 	snop  }
0x7: {  	_ = 	snop  }
__scs_overlays_trampoline_lowered:
0x8: {  	[smem:$0x3FAC] =	sst s0  }
0x9: {  	[smem:$0x3FAD] =	sst s1  }
0xa: {  	[smem:$0x3FAE] =	sst s2  }
0xb: {  	[smem:$0x3FAF] =	sst s3  }
0xc: {  	[smem:$0x3FB0] =	sst s4  }
0xd: {  	[smem:$0x3FB1] =	sst s5  }
0xe: {  	[smem:$0x3FB2] =	sst s6  }
0xf: {  	[smem:$0x3FB3] =	sst s7  }
0x10: {  	[smem:$0x3FB4] =	sst s8  }
0x11: {  	[smem:$0x3FB5] =	sst s9;
	s0 =	simm.s32 @!p0 $0x0  }
0x12: {  	s1 =	sld [smem:$0x3F9B];
	s0 =	simm.s32 @p0 $0x1  }
0x13: {  	[smem:$0x3FB6] =	sst s0;
	s0 =	simm.s32 @!p1 $0x0  }
0x14: {  	s2 =	sld [smem:$0x3F9A];
	s0 =	simm.s32 @p1 $0x1  }
0x15: {  	[smem:$0x3FB7] =	sst s0;
	s0 =	simm.s32 @!p2 $0x0  }
0x16: {  	s3 =	sld [smem:$0x3FDB];
	s0 =	simm.s32 @p2 $0x1  }
0x17: {  	s4 =	simm.s32 $0x1BF5;
	[smem:$0x3FB9] =	sst s0  }
0x18: {  	s0 =	sld [smem:$0x3F9C];
	_ =	swait.ge [sflag:s4], $0x0  }
0x19: {  	s7 =	sld [smem:$0x3F9D]  }
0x1a: {  	s8 =	sadd.s32 $0xFFFFE003, lr  }
0x1b: {  	s9 =	sadd.s32 $0xFFFFFEF7, lr;
	s5 =	simm.s32 $0xFFFFFFFF;
	p2 =	slt.u32 s8, $0xFFFFF086  }
0x1c: {  	p1 =	slt.u32 s9, $0xF7A;
	s5 =	simm.s32 @!p2 $0x0  }
0x1d: {  	s5 =	simm.s32 @p1 $0x1;
	p0 =	seq.s32 s7, s2  }
0x1e: {  	s7 =	smul.u32 @!p0 $0xF7A, s2;
	p2 =	seq.s32 @!p0 s5, $0x0  }
0x1f: {  	s9 =	smul.u32 $0xF7A, s1;
	s8 =	simm.s32 @!p0 $0x1BF5;
	p2 =	por !p2, p0  }
0x20: {  	[sflag:s8] =	ssyncset.s32 @!p0 $0xFFFFF086;
	s6 =	sadd.s32 @!p0 s3, s7;
	s7 =	simm.s32 @!p0 $0x108  }
0x21: {  	s3 =	sadd.s32 s3, s9;
	s6 =	sadd.s32 @!p0 $0x88, s6;
	s7 =	simm.s32 @p2 $0x1082  }
0x22: {  	[simem:s7], [sflag:s8] =	dma.local @!p0 [hbm:s6], $0xF7A  }
0x23: {  	s9 =	sor.u32 $0xD0000000, s2;
	s6 =	simm.s32 $0x108;
	_ =	swait.ge @!p0 [sflag:s8], $0x0  }
0x24: {  	s3 =	sadd.s32 $0x88, s3;
	s6 =	simm.s32 @!p1 $0x1082;
	[sflag:s4] =	ssyncset.s32 $0xFFFFF086  }
0x25: {  	[simem:s6], [sflag:s4] =	dma.local [hbm:s3], $0xF7A  }
0x26: {  	[smem:$0x3F9D] =	sst s1;
	(tag) =	ssettag s2;
	_ =	strace s9  }
0x27: {  	s1 =	sld [smem:$0x3FAD]  }
0x28: {  	s2 =	sld [smem:$0x3FAE]  }
0x29: {  	s4 =	sld [smem:$0x3FB0]  }
0x2a: {  	p0 =	seq.s32 s5, $0x0;
	s5 =	sld [smem:$0x3FB1]  }
0x2b: {  	s6 =	sld [smem:$0x3FB2]  }
0x2c: {  	s7 =	sld [smem:$0x3FB3]  }
0x2d: {  	s3 =	simm.s32 $0x108;
	s8 =	sld [smem:$0x3FB4]  }
0x2e: {  	s3 =	simm.s32 @!p0 $0x1082;
	s9 =	sld [smem:$0x3FB5]  }
0x2f: {  	lr =	sadd.s32 s0, s3;
	s0 =	sld [smem:$0x3FAC]  }
0x30: {  	s3 =	sld [smem:$0x3FAF]  }
0x31: {  	[smem:$0x3FB8] =	sst s10  }
0x32: {  	s10 =	sld [smem:$0x3FB6];
	_ =	sdelay $0x3  }
0x33: {  	p0 =	seq.s32 s10, $0x1;
	s10 =	sld [smem:$0x3FB8];
	_ =	sdelay $0x3  }
0x34: {  	[smem:$0x3FB8] =	sst s10  }
0x35: {  	s10 =	sld [smem:$0x3FB7];
	_ =	sdelay $0x3  }
0x36: {  	p1 =	seq.s32 s10, $0x1;
	s10 =	sld [smem:$0x3FB8];
	_ =	sdelay $0x3  }
0x37: {  	[smem:$0x3FB8] =	sst s10  }
0x38: {  	s10 =	sld [smem:$0x3FB9]  }
0x39: {  	_ = 	snop;
	(pc) =	sbr.ind lr, $3  }
0x3a: {  	_ = 	snop  }
0x3b: {  	_ = 	snop  }
0x3c: {  	p2 =	seq.s32 s10, $0x1;
	s10 =	sld [smem:$0x3FB8]  }
0x3d: {  	_ =	shalt  }
0x3e: {  	_ =	shalt  }
0x3f: {  	_ =	shalt  }
0x40: {  	_ =	shalt  }
0x41: {  	_ =	shalt  }
0x42: {  	_ =	shalt  }
0x43: {  	_ =	shalt  }
0x44: {  	_ =	shalt  }
0x45: {  	_ =	shalt  }
0x46: {  	_ =	shalt  }
0x47: {  	_ =	shalt  }
0x48: {  	_ =	shalt  }
0x49: {  	_ =	shalt  }
0x4a: {  	_ =	shalt  }
0x4b: {  	_ =	shalt  }
0x4c: {  	_ =	shalt  }
0x4d: {  	_ =	shalt  }
0x4e: {  	_ =	shalt  }
0x4f: {  	_ =	shalt  }
0x50: {  	_ =	shalt  }
0x51: {  	_ =	shalt  }
0x52: {  	_ =	shalt  }
0x53: {  	_ =	shalt  }
0x54: {  	_ =	shalt  }
0x55: {  	_ =	shalt  }
0x56: {  	_ =	shalt  }
0x57: {  	_ =	shalt  }
0x58: {  	_ =	shalt  }
0x59: {  	_ =	shalt  }
0x5a: {  	_ =	shalt  }
0x5b: {  	_ =	shalt  }
0x5c: {  	_ =	shalt  }
0x5d: {  	_ =	shalt  }
0x5e: {  	_ =	shalt  }
0x5f: {  	_ =	shalt  }
0x60: {  	_ =	shalt  }
0x61: {  	_ =	shalt  }
0x62: {  	_ =	shalt  }
0x63: {  	_ =	shalt  }
0x64: {  	_ =	shalt  }
0x65: {  	_ =	shalt  }
0x66: {  	_ =	shalt  }
0x67: {  	_ =	shalt  }
0x68: {  	_ =	shalt  }
0x69: {  	_ =	shalt  }
0x6a: {  	_ =	shalt  }
0x6b: {  	_ =	shalt  }
0x6c: {  	_ =	shalt  }
0x6d: {  	_ =	shalt  }
0x6e: {  	_ =	shalt  }
0x6f: {  	_ =	shalt  }
0x70: {  	_ =	shalt  }
0x71: {  	_ =	shalt  }
0x72: {  	_ =	shalt  }
0x73: {  	_ =	shalt  }
0x74: {  	_ =	shalt  }
0x75: {  	_ =	shalt  }
0x76: {  	_ =	shalt  }
0x77: {  	_ =	shalt  }
0x78: {  	_ =	shalt  }
0x79: {  	_ =	shalt  }
0x7a: {  	_ =	shalt  }
0x7b: {  	_ =	shalt  }
0x7c: {  	_ =	shalt  }
0x7d: {  	_ =	shalt  }
0x7e: {  	_ =	shalt  }
0x7f: {  	_ =	shalt  }
0x80: {  	_ =	shalt  }
0x81: {  	_ =	shalt  }
0x82: {  	_ =	shalt  }
0x83: {  	_ =	shalt  }
0x84: {  	_ =	shalt  }
0x85: {  	_ =	shalt  }
0x86: {  	_ =	shalt  }
0x87: {  	_ =	shalt  }
.Lfunc_end0:
.L_simem_size_0:
called_computation_lowered:
.L_overlay_start_0:
0x88: {  	s0 =	sld [smem:$0x3FD9]  }
0x89: {  	s1 =	sld [smem:$0x3FFE];
	_ =	sdelay $0x3  }
0x8a: {  	s0 =	sadd.s32 s1, s0  }
0x8b: {  	[smem:$0x3FC4] =	sst s0  }
0x8c: {  	_ = 	snop  }
0x8d: {  	s0 =	sld [smem:$0x3FD0];
	_ =	sdelay $0x2  }
0x8e: {  	s13 =	simm.s32 $0xA;
	s2 =	simm.s32 $0x10  }
0x8f: {  	[smem:s2], [sflag:s13] =	dma.local [hbm:s0], $0x1  }
0x90: {  	_ =	swait.eq [sflag:s13], $0x1  }
0x91: {  	s14 =	sld [smem:$0x11]  }
0x92: {  	s15 =	sld [smem:$0x12];
	[sflag:s13] =	ssyncset.done $0x0  }
0x93: {  	s3 =	sld [smem:$0x13];
	[sflag:s13] =	ssyncadd.s32 $0xFFFFFFFF  }
0x94: {  	s16 =	sld [smem:$0x14];
	(tm) =	ssettm $0x1  }
0x95: {  	s4 =	sld [smem:$0x3FFB];
	_ =	sdelay $0x3  }
0x96: {  	_ =	strace s4  }
0x97: {  	s4 =	sld [smem:$0x3FFC];
	_ =	sdelay $0x3  }
0x98: {  	_ =	strace s4  }
0x99: {  	s4 =	sld [smem:$0x3FFD];
	_ =	sdelay $0x3  }
0x9a: {  	_ =	strace s4  }
0x9b: {  	_ =	strace $0x8FFFFFFF  }
0x9c: {  	s17 =	sld [smem:$0x3FDB];
	_ =	sdelay $0x1  }
0x9d: {  	s5 =	simm.s32 $_scs_section_size  }
0x9e: {  	s6 =	simm.s32 $_size__tile_overlayer_lowered;
	s7 =	simm.s32 $_tile_overlayer_lowered  }
0x9f: {  	s20 =	simm.s32 $0x1BFF;
	s19 =	sshll.u32 s7, $0x1;
	s4 =	sadd.s32 s5, s17  }
0xa0: {  	s8 =	simm.s32 $0x0;
	s18 =	sshll.u32 s6, $0x1;
	s6 =	sadd.s32 s19, s4  }
0xa1: {  	[timem:s8], [sflag:s20] =	dma.local [hbm:s6], s18  }
0xa2: {  	_ =	swait.ge [sflag:s20], s18  }
0xa3: {  	s5 =	ssub.s32 $0x0, s18;
	[sflag:s20] =	ssyncset.done $0x0  }
0xa4: {  	[sflag:s20] =	ssyncadd.s32 s5;
	_ =	sdelay $0x1  }
0xa5: {  	s21 =	simm.s32 $0x1B8B  }
0xa6: {  	_ =	swait.ge [sflag:s21], $0x1  }
0xa7: {  	[sflag:s21] =	ssyncset.done $0x0  }
0xa8: {  	s23 =	simm.s32 $0x1B8E;
	s22 =	sld [smem:$0x3FFE];
	[sflag:s21] =	ssyncadd.s32 $0xFFFFFFFF  }
0xa9: {  	s24 =	simm.s32 $execute0_lowered;
	[smem:$0x3FD2] =	sst s23  }
0xaa: {  	s6 =	sshll.u32 s24, $0x1;
	_ =	strace $0x80000046;
	[dreg:$0x1] =	wrdreg $0xFFFFFFFF  }
0xab: {  	s25 =	simm.s32 $_size_execute0_lowered;
	s4 =	sadd.s32 s4, s6;
	[dreg:$0x0] =	wrdreg $0x0  }
0xac: {  	s6 =	sshll.u32 s25, $0x1;
	[dreg:$0x2] =	wrdreg s4  }
0xad: {  	[dreg:$0x3] =	wrdreg s6  }
0xae: {  	[dreg:$0x4] =	wrdreg $0xC0  }
0xaf: {  	_ =	task [dreg:s8], $0x5FFFF  }
0xb0: {  	[dreg:$0x1] =	wrdreg $0xFFFFFFFF  }
0xb1: {  	[dreg:$0x0] =	wrdreg $0x60  }
0xb2: {  	[dreg:$0x2] =	wrdreg s22  }
0xb3: {  	[dreg:$0x3] =	wrdreg s15  }
0xb4: {  	[dreg:$0x4] =	wrdreg s16  }
0xb5: {  	[dreg:$0x5] =	wrdreg s3  }
0xb6: {  	[dreg:$0x6] =	wrdreg s14  }
0xb7: {  	[dreg:$0x7] =	wrdreg $0x25000  }
0xb8: {  	[dreg:$0x8] =	wrdreg $0x25400  }
0xb9: {  	[dreg:$0x9] =	wrdreg $0x9  }
0xba: {  	_ =	task.clear_ibuf [dreg:s8], $0xAFFFF;
	_ =	strace $0x90000046  }
0xbb: {  	s26 =	simm.s32 $0x9;
	_ =	strace $0x80000048  }
0xbc: {  	_ =	swait.ge [sflag:s26], $0x1  }
0xbd: {  	[sflag:s26] =	ssyncadd.s32 $0xFFFFFFFF  }
0xbe: {  	_ =	strace $0x90000048  }
0xbf: {  	_ =	sfence  }
0xc0: {  	s28 =	sld [smem:$0x0];
	_ =	sdelay $0x1  }
0xc1: {  	s29 =	srdreg.scid  }
0xc2: {  	s30 =	sshll.u32 s29, $0xD;
	s31 =	sshrl.u32 s29, $0x2  }
0xc3: {  	s1 =	sand.u32 $0x1, s29;
	s2 =	sand.u32 $0x4000, s30;
	s0 =	sadd.s32 s31, s28  }
0xc4: {  	s1 =	sor.u32 s2, s1;
	s0 =	sshll.u32 s0, $0x11  }
0xc5: {  	s0 =	sor.u32 s0, s1  }
0xc6: {  	s0 =	sadd.s32 $0x8F2B, s0  }
0xc7: {  	[sflag:s0] =	ssyncadd.remote.s32 $0x1  }
0xc8: {  	_ =	sfence.sel $0xFFFF  }
0xc9: {  	[dreg:$0x0] =	wrdreg $0xFFFFFFFF;
	(pc) =	sbr.abs _section_cstart, $3  }
0xca: {  	[dreg:$0x1] =	wrdreg $0xFFFFFFFF  }
0xcb: {  	_ =	task.clear_ibuf [dreg:s8], $0x2FFFF;
	_ =	strace $0x9FFFFFFF  }
0xcc: {  	(tm) =	ssettm $0x7FFFFFFF  }
0xcd: {  	_ =	shalt  }
tec
execute0_lowered:
.L_overlay_start_1:
0x0: {  	(tag) =	ssettag $0x1  }
0x1: {  	s9 =	rddreg [dreg:$0x0]  }
0x2: {  	s6 =	rddreg [dreg:$0x1]  }
0x3: {  	s1 =	rddreg [dreg:$0x2]  }
0x4: {  	s4 =	rddreg [dreg:$0x3]  }
0x5: {  	s5 =	rddreg [dreg:$0x4]  }
0x6: {  	s8 =	rddreg [dreg:$0x5]  }
0x7: {  	s3 =	rddreg [dreg:$0x6];
	s7 =	stileid.u32  }
0x8: {  	s0 =	rddreg [dreg:$0x7];
	s2 =	simm.s32 $0x0;
	s10 =	sshll.u32 s7, $0xA  }
0x9: {  	[smem:$0x7FF] =	sst s2;
	s9 =	sadd.s32 s10, s9  }
0xa: {  	s31 =	simm.s32 $0x1;
	_ =	strace $0x80000047;
	s9 =	sadd.s32 $0x1200, s9  }
0xb: {  	[tilespmem:s2], [sflag:$0x1] =	stream.linear.gather [hbm4b:s9+s2], $0x2000, $0x38;
	[tilespmem:$0x2600] =	vst v63  }
0xc: {  	_ =	swait.ge [sflag:s31], $0x2000  }
0xd: {  	[sflag:s31] =	ssyncset.done $0x0  }
0xe: {  	v0 =	vimm.f32 $0.0e+00;
	[sflag:s31] =	ssyncadd.s32 $0xFFFFE000  }
0xf: {  	[tilespmem:$0x2000] =	vst v0  }
0x10: {  	[tilespmem:$0x2080] =	vst v0  }
0x11: {  	[tilespmem:$0x2010] =	vst v0  }
0x12: {  	[tilespmem:$0x2090] =	vst v0  }
0x13: {  	[tilespmem:$0x2020] =	vst v0  }
0x14: {  	[tilespmem:$0x20A0] =	vst v0  }
0x15: {  	v1 =	vlaneseq.u32;
	[tilespmem:$0x2030] =	vst v0  }
0x16: {  	s11 =	simm.s32 $0x0;
	s10 =	simm.s32 $0x2080;
	s9 =	simm.s32 $0x2000;
	[tilespmem:$0x20B0] =	vst v0;
	v0 =	vmul.u32 $0x40, v1;
	v1 =	vimm.f32 $4.882812500e-04  }
.LBB2_1:
0x17: {  	s12 =	sshll.u32 s11, $0x4  }
0x18: {  	v2 =	vmov s12  }
0x19: {  	v2 =	vshll.u32 v2, $0x6  }
0x1a: {  	v2 =	vor.u32 v0, v2;
	_ =	sdelay $0x4  }
0x1b: {  	v3 =	vor.u32 $0x1, v2;
	v9 =	vld.idx.msk [tilespmem:v2+s2+$0x0], $0xffff  }
0x1c: {  	v5 =	vadd.s32 s2, v3;
	_ =	sdelay $0x2  }
0x1d: {  	v6 =	vimm.f32 $-1.000000000e+00  }
0x1e: {  	s12 =	simm.s32 $0x1;
	vm0 =	vgt.f32 v9, v6  }
0x1f: {  	v8 =	vadd.s32 s12, v3;
	v5 =	vld.idx.msk [tilespmem:v5+s2+$0x0], $0xffff;
	vm1 =	vgt.f32 v9, v6;
	vm0 =	vmneg vm0  }
0x20: {  	v4 =	vimm.s32 $0x0;
	vm1 =	vmand vm0, vm1;
	v2 =	vsel vm0, v6, v9  }
0x21: {  	s13 =	simm.s32 $0x2;
	v7 =	vnsel vm0, s2, v4;
	v10 =	vsel vm1, v9, v6;
	v9 =	vsel vm1, s2, v4  }
.LBB2_2:
0x22: {  	p0 =	sne.s32 s13, $0x3F;
	v10 =	vsel vm0, v10, v6;
	v9 =	vsel vm0, v9, v4;
	v6 =	vmovc v2;
	v4 =	vmov v7;
	s14 =	smov.u32 s13;
	s13 =	sadd.s32 $0x1, s13  }
.Ltmp0:
0x23: {  	(pc) =	sbr.rel @p0 .LBB2_2-.Ltmp0, $4  }
0x24: {  	vm0 =	vgt.f32 v5, v2;
	v11 =	vmov v5;
	v5 =	vld.idx.msk [tilespmem:v8+s2+$0x0], $0xffff  }
0x25: {  	v8 =	vadd.s32 s14, v3;
	vm0 =	vmneg vm0;
	vm1 =	vgt.f32 v11, v10  }
0x26: {  	vm1 =	vmand vm0, vm1;
	v2 =	vsel vm0, v2, v11;
	v7 =	vnsel vm0, s12, v7  }
0x27: {  	v10 =	vsel vm1, v11, v10;
	v9 =	vsel vm1, s12, v9;
	s12 =	smov.u32 s14  }
0x28: {  	_ = 	snop  }
0x29: {  	v3 =	vsel vm0, v10, v6;
	vm1 =	vgt.f32 v5, v2  }
0x2a: {  	vm2 =	vgt.f32 v5, v3;
	vm1 =	vmneg vm1  }
0x2b: {  	v4 =	vsel vm0, v9, v4;
	vm15 =	vmand vm1, vm2  }
0x2c: {  	v62 =	vnsel vm1, s12, v7;
	v4 =	vsel vm15, s12, v4  }
0x2d: {  	v4 =	vsel vm1, v4, v7  }
0x2e: {  	s11 =	sadd.s32 $0x1, s11;
	v63 =	vsel vm1, v2, v5;
	v3 =	vsel vm15, v5, v3  }
0x2f: {  	p0 =	sne.s32 s11, $0x8;
	v2 =	vsel vm1, v3, v2;
	v3 =	vmul.f32 $4.882812500e-04, v63  }
.Ltmp1:
0x30: {  	v2 =	vmul.f32 $4.882812500e-04, v2;
	(pc) =	sbr.rel @p0 .LBB2_1-.Ltmp1, $4  }
0x31: {  	[tilespmem:v62+s9+$0x0] =	vst.idx.add.f32.msk $0xffff, v3  }
0x32: {  	[tilespmem:v4+s9+$0x0] =	vst.idx.add.f32.msk $0xffff, v2  }
0x33: {  	[tilespmem:v62+s10+$0x0] =	vst.idx.add.f32.msk $0xffff, v1  }
0x34: {  	[tilespmem:v4+s10+$0x0] =	vst.idx.add.f32.msk $0xffff, v1  }
0x35: {  	s9 =	sshll.u32 s7, $0x6  }
0x36: {  	s10 =	simm.s32 $0x2000;
	s2 =	sadd.s32 s9, s8  }
0x37: {  	[spmem:s2] =	stream.linear.scatter [tilespmem:s10], [sflag:$0x1], $0x40, $0x38;
	[tilespmem:$0x2600] =	vst v63  }
0x38: {  	s2 =	simm.s32 $0x1  }
0x39: {  	_ =	swait.ge [sflag:s2], $0x40  }
0x3a: {  	[sflag:s2] =	ssyncset.done $0x0  }
0x3b: {  	s31 =	simm.s32 $0x2080;
	s9 =	sadd.s32 s9, s3;
	[sflag:s2] =	ssyncadd.s32 $0xFFFFFFC0  }
0x3c: {  	[spmem:s9] =	stream.linear.scatter [tilespmem:s31], [sflag:$0x1], $0x40, $0x38;
	[tilespmem:$0x2600] =	vst v63  }
0x3d: {  	_ =	swait.ge [sflag:s2], $0x40  }
0x3e: {  	[sflag:s2] =	ssyncset.done $0x0  }
0x3f: {  	[sflag:s2] =	ssyncadd.s32 $0xFFFFFFC0  }
0x40: {  	p0 =	sne.s32 s7, $0x0;
	[bflag:$0x0] =	sbarrier.arrive $0xFFFF  }
0x41: {  	_ =	sfence.sel @p0 $0x180000  }
0x42: {  	[bflag:$0x0] =	sbarrier.arrive @p0 $0xFFFF  }
0x43: {  	_ =	strace @p0 $0x90000047  }
0x44: {  	[bflag:$0x2] =	sbarrier.arrive @p0 $0xFFFF  }
0x45: {  	_ =	shalt @p0  }
.LBB2_5:
0x46: {  	s7 =	simm.s32 $0x2100  }
0x47: {  	[tilespmem:s7], [sflag:$0x1] =	stream.linear.gather [spmem:s8], $0x400, $0x38;
	[tilespmem:$0x2600] =	vst v63  }
0x48: {  	_ =	swait.ge [sflag:s2], $0x400  }
0x49: {  	[sflag:s2] =	ssyncset.done $0x0  }
0x4a: {  	[sflag:s2] =	ssyncadd.s32 $0xFFFFFC00  }
0x4b: {  	v0 =	vld [tilespmem:$0x2100]  }
0x4c: {  	v1 =	vld [tilespmem:$0x2110]  }
0x4d: {  	v2 =	vld [tilespmem:$0x2120]  }
0x4e: {  	v3 =	vld [tilespmem:$0x2130]  }
0x4f: {  	v4 =	vld [tilespmem:$0x2140]  }
0x50: {  	v5 =	vld [tilespmem:$0x2150]  }
0x51: {  	v6 =	vld [tilespmem:$0x2160]  }
0x52: {  	v7 =	vld [tilespmem:$0x2170]  }
0x53: {  	v8 =	vld [tilespmem:$0x2180]  }
0x54: {  	v9 =	vld [tilespmem:$0x2190]  }
0x55: {  	v10 =	vld [tilespmem:$0x21A0]  }
0x56: {  	v11 =	vld [tilespmem:$0x21B0]  }
0x57: {  	v12 =	vld [tilespmem:$0x21C0]  }
0x58: {  	v13 =	vld [tilespmem:$0x21D0]  }
0x59: {  	v14 =	vld [tilespmem:$0x21E0]  }
0x5a: {  	v15 =	vld [tilespmem:$0x21F0]  }
0x5b: {  	v16 =	vld [tilespmem:$0x2200]  }
0x5c: {  	v17 =	vld [tilespmem:$0x2210]  }
0x5d: {  	v18 =	vld [tilespmem:$0x2220]  }
0x5e: {  	v19 =	vld [tilespmem:$0x2230]  }
0x5f: {  	v20 =	vld [tilespmem:$0x2240]  }
0x60: {  	v21 =	vld [tilespmem:$0x2250]  }
0x61: {  	v22 =	vld [tilespmem:$0x2260]  }
0x62: {  	v23 =	vld [tilespmem:$0x2270]  }
0x63: {  	v24 =	vld [tilespmem:$0x2280]  }
0x64: {  	v25 =	vld [tilespmem:$0x2290]  }
0x65: {  	v26 =	vld [tilespmem:$0x22A0]  }
0x66: {  	v27 =	vld [tilespmem:$0x22B0]  }
0x67: {  	v28 =	vld [tilespmem:$0x22C0]  }
0x68: {  	v29 =	vld [tilespmem:$0x22D0]  }
0x69: {  	v30 =	vld [tilespmem:$0x22E0]  }
0x6a: {  	v31 =	vld [tilespmem:$0x22F0]  }
0x6b: {  	v32 =	vld [tilespmem:$0x2300]  }
0x6c: {  	v33 =	vld [tilespmem:$0x2310]  }
0x6d: {  	v34 =	vld [tilespmem:$0x2320]  }
0x6e: {  	v35 =	vld [tilespmem:$0x2330];
	v0 =	vadd.f32 $0.0e+00, v0;
	v1 =	vadd.f32 $0.0e+00, v1  }
0x6f: {  	v36 =	vld [tilespmem:$0x2340];
	v2 =	vadd.f32 $0.0e+00, v2  }
0x70: {  	v58 =	vld [tilespmem:$0x2350];
	v0 =	vadd.f32 v4, v0;
	v1 =	vadd.f32 v5, v1  }
0x71: {  	v59 =	vld [tilespmem:$0x2360];
	v3 =	vadd.f32 $0.0e+00, v3;
	v2 =	vadd.f32 v6, v2  }
0x72: {  	v60 =	vld [tilespmem:$0x2370];
	v0 =	vadd.f32 v8, v0;
	v1 =	vadd.f32 v9, v1  }
0x73: {  	v61 =	vld [tilespmem:$0x2380];
	v3 =	vadd.f32 v7, v3;
	v2 =	vadd.f32 v10, v2  }
0x74: {  	v62 =	vld [tilespmem:$0x2390];
	v0 =	vadd.f32 v12, v0;
	v1 =	vadd.f32 v13, v1  }
0x75: {  	v63 =	vld [tilespmem:$0x23A0];
	v3 =	vadd.f32 v11, v3;
	v2 =	vadd.f32 v14, v2  }
0x76: {  	v37 =	vld [tilespmem:$0x23B0];
	v0 =	vadd.f32 v16, v0;
	v1 =	vadd.f32 v17, v1  }
0x77: {  	v38 =	vld [tilespmem:$0x23C0];
	v3 =	vadd.f32 v15, v3;
	v2 =	vadd.f32 v18, v2  }
0x78: {  	v39 =	vld [tilespmem:$0x23D0];
	v0 =	vadd.f32 v20, v0;
	v1 =	vadd.f32 v21, v1  }
0x79: {  	v40 =	vld [tilespmem:$0x23E0];
	v3 =	vadd.f32 v19, v3;
	v2 =	vadd.f32 v22, v2  }
0x7a: {  	v41 =	vld [tilespmem:$0x23F0];
	v0 =	vadd.f32 v24, v0;
	v1 =	vadd.f32 v25, v1  }
0x7b: {  	v42 =	vld [tilespmem:$0x2400];
	v3 =	vadd.f32 v23, v3;
	v2 =	vadd.f32 v26, v2  }
0x7c: {  	v43 =	vld [tilespmem:$0x2410];
	v0 =	vadd.f32 v28, v0;
	v1 =	vadd.f32 v29, v1  }
0x7d: {  	v44 =	vld [tilespmem:$0x2420];
	v3 =	vadd.f32 v27, v3;
	v2 =	vadd.f32 v30, v2  }
0x7e: {  	v45 =	vld [tilespmem:$0x2430];
	v0 =	vadd.f32 v32, v0;
	v1 =	vadd.f32 v33, v1  }
0x7f: {  	v46 =	vld [tilespmem:$0x2440];
	v3 =	vadd.f32 v31, v3;
	v2 =	vadd.f32 v34, v2  }
0x80: {  	v47 =	vld [tilespmem:$0x2450];
	v0 =	vadd.f32 v36, v0;
	v1 =	vadd.f32 v58, v1  }
0x81: {  	v48 =	vld [tilespmem:$0x2460];
	v3 =	vadd.f32 v35, v3;
	v2 =	vadd.f32 v59, v2  }
0x82: {  	v49 =	vld [tilespmem:$0x2470];
	v0 =	vadd.f32 v61, v0;
	v1 =	vadd.f32 v62, v1  }
0x83: {  	v50 =	vld [tilespmem:$0x2480];
	v3 =	vadd.f32 v60, v3;
	v2 =	vadd.f32 v63, v2  }
0x84: {  	v51 =	vld [tilespmem:$0x2490];
	v0 =	vadd.f32 v38, v0;
	v1 =	vadd.f32 v39, v1  }
0x85: {  	v52 =	vld [tilespmem:$0x24A0];
	v3 =	vadd.f32 v37, v3;
	v2 =	vadd.f32 v40, v2  }
0x86: {  	v53 =	vld [tilespmem:$0x24C0];
	v0 =	vadd.f32 v42, v0;
	v1 =	vadd.f32 v43, v1  }
0x87: {  	v54 =	vld [tilespmem:$0x24D0];
	v3 =	vadd.f32 v41, v3;
	v2 =	vadd.f32 v44, v2  }
0x88: {  	v55 =	vld [tilespmem:$0x24B0];
	v0 =	vadd.f32 v46, v0;
	v1 =	vadd.f32 v47, v1  }
0x89: {  	v56 =	vld [tilespmem:$0x24E0];
	v3 =	vadd.f32 v45, v3;
	v2 =	vadd.f32 v48, v2  }
0x8a: {  	v57 =	vld [tilespmem:$0x24F0];
	v0 =	vadd.f32 v50, v0;
	v1 =	vadd.f32 v51, v1  }
0x8b: {  	v3 =	vadd.f32 v49, v3;
	v2 =	vadd.f32 v52, v2  }
0x8c: {  	v0 =	vadd.f32 v53, v0;
	v1 =	vadd.f32 v54, v1  }
0x8d: {  	v3 =	vadd.f32 v55, v3  }
0x8e: {  	v2 =	vadd.f32 v56, v2;
	[tilespmem:$0x2580] =	vst v0;
	v58 =	vadd.f32 v1, v0  }
0x8f: {  	v3 =	vadd.f32 v57, v3;
	[tilespmem:$0x2590] =	vst v1  }
0x90: {  	[tilespmem:$0x25A0] =	vst v2;
	v4 =	vadd.f32 v2, v58  }
0x91: {  	s31 =	simm.s32 $0x0;
	s9 =	simm.s32 $0x2580;
	[tilespmem:$0x25B0] =	vst v3  }
0x92: {  	[hbm4b:s6+s31] =	stream.linear.scatter [tilespmem:s9], [sflag:$0x1], $0x80, $0x38;
	v4 =	vadd.f32 v3, v4;
	[tilespmem:$0x2600] =	vst v63  }
0x93: {  	_ =	swait.ge [sflag:s2], $0x80  }
0x94: {  	(xrf2) =	vadd.scan.msk.f32 $0xffff, v4;
	_ =	sdelay $0x9  }
0x95: {  	v4, _, _ =	vpop (xrf2)  }
0x96: {  	v4 =	vmax.f32 v4, $9.999999960e-13  }
0x97: {  	[sflag:s2] =	ssyncset.done $0x0;
	v4 =	vbroadcast v4, $0xF  }
0x98: {  	[sflag:s2] =	ssyncadd.s32 $0xFFFFFF80  }
0x99: {  	[tilespmem:$0x2580] =	vst v4  }
0x9a: {  	[hbm4b:s5+s31] =	stream.linear.scatter [tilespmem:s9], [sflag:$0x1], $0x10, $0x38;
	[tilespmem:$0x2600] =	vst v63  }
0x9b: {  	_ =	swait.ge [sflag:s2], $0x10  }
0x9c: {  	(erf) = vrcp.f32 v4;
	_ =	sdelay $0x8  }
0x9d: {  	v4 =	vpop (erf)  }
0x9e: {  	[sflag:s2] =	ssyncset.done $0x0;
	v0 =	vmul.f32 v4, v0  }
0x9f: {  	[sflag:s2] =	ssyncadd.s32 $0xFFFFFFF0;
	v1 =	vmul.f32 v4, v1  }
0xa0: {  	v59 =	vmul.f32 v4, v2;
	[tilespmem:$0x2580] =	vst v0  }
0xa1: {  	v60 =	vmul.f32 v4, v3;
	[tilespmem:$0x2590] =	vst v1  }
0xa2: {  	[tilespmem:$0x25A0] =	vst v59  }
0xa3: {  	[tilespmem:$0x25B0] =	vst v60  }
0xa4: {  	[hbm4b:s4+s31] =	stream.linear.scatter [tilespmem:s9], [sflag:$0x1], $0x80, $0x38;
	[tilespmem:$0x2600] =	vst v63  }
0xa5: {  	_ =	swait.ge [sflag:s2], $0x80  }
0xa6: {  	[sflag:s2] =	ssyncset.done $0x0  }
0xa7: {  	[sflag:s2] =	ssyncadd.s32 $0xFFFFFF80  }
0xa8: {  	[tilespmem:s7], [sflag:$0x1] =	stream.linear.gather [spmem:s3], $0x400, $0x38;
	[tilespmem:$0x2600] =	vst v63  }
0xa9: {  	_ =	swait.ge [sflag:s2], $0x400  }
0xaa: {  	[sflag:s2] =	ssyncset.done $0x0  }
0xab: {  	[sflag:s2] =	ssyncadd.s32 $0xFFFFFC00  }
0xac: {  	v61 =	vld [tilespmem:$0x2100]  }
0xad: {  	v62 =	vld [tilespmem:$0x2110]  }
0xae: {  	v2 =	vld [tilespmem:$0x2120]  }
0xaf: {  	v3 =	vld [tilespmem:$0x2130]  }
0xb0: {  	v63 =	vld [tilespmem:$0x2140]  }
0xb1: {  	v5 =	vld [tilespmem:$0x2150]  }
0xb2: {  	v6 =	vld [tilespmem:$0x2160]  }
0xb3: {  	v7 =	vld [tilespmem:$0x2170]  }
0xb4: {  	v8 =	vld [tilespmem:$0x2180]  }
0xb5: {  	v9 =	vld [tilespmem:$0x2190]  }
0xb6: {  	v10 =	vld [tilespmem:$0x21A0]  }
0xb7: {  	v11 =	vld [tilespmem:$0x21B0]  }
0xb8: {  	v40 =	vld [tilespmem:$0x21C0]  }
0xb9: {  	v41 =	vld [tilespmem:$0x21D0]  }
0xba: {  	v14 =	vld [tilespmem:$0x21E0]  }
0xbb: {  	v15 =	vld [tilespmem:$0x21F0]  }
0xbc: {  	v42 =	vld [tilespmem:$0x2200]  }
0xbd: {  	v43 =	vld [tilespmem:$0x2210]  }
0xbe: {  	v44 =	vld [tilespmem:$0x2220]  }
0xbf: {  	v45 =	vld [tilespmem:$0x2230]  }
0xc0: {  	v46 =	vld [tilespmem:$0x2240]  }
0xc1: {  	v47 =	vld [tilespmem:$0x2250]  }
0xc2: {  	v48 =	vld [tilespmem:$0x2260]  }
0xc3: {  	v49 =	vld [tilespmem:$0x2270]  }
0xc4: {  	v50 =	vld [tilespmem:$0x2280]  }
0xc5: {  	v51 =	vld [tilespmem:$0x2290]  }
0xc6: {  	v52 =	vld [tilespmem:$0x22A0]  }
0xc7: {  	v53 =	vld [tilespmem:$0x22B0]  }
0xc8: {  	v54 =	vld [tilespmem:$0x22C0]  }
0xc9: {  	v55 =	vld [tilespmem:$0x22D0]  }
0xca: {  	v56 =	vld [tilespmem:$0x22E0]  }
0xcb: {  	v57 =	vld [tilespmem:$0x22F0]  }
0xcc: {  	v58 =	vld [tilespmem:$0x2300]  }
0xcd: {  	v59 =	vld [tilespmem:$0x2310]  }
0xce: {  	v60 =	vld [tilespmem:$0x2320]  }
0xcf: {  	v37 =	vld [tilespmem:$0x2360];
	v0 =	vadd.f32 $0.0e+00, v61  }
0xd0: {  	v38 =	vld [tilespmem:$0x2370];
	v1 =	vadd.f32 $0.0e+00, v62  }
0xd1: {  	v39 =	vld [tilespmem:$0x2380];
	v2 =	vadd.f32 $0.0e+00, v2;
	v0 =	vadd.f32 v63, v0  }
0xd2: {  	v61 =	vld [tilespmem:$0x2330];
	v3 =	vadd.f32 $0.0e+00, v3;
	v1 =	vadd.f32 v5, v1  }
0xd3: {  	v62 =	vld [tilespmem:$0x2340];
	v2 =	vadd.f32 v6, v2;
	v0 =	vadd.f32 v8, v0  }
0xd4: {  	v63 =	vld [tilespmem:$0x2350];
	v3 =	vadd.f32 v7, v3;
	v1 =	vadd.f32 v9, v1  }
0xd5: {  	v2 =	vadd.f32 v10, v2;
	v0 =	vadd.f32 v40, v0;
	v40 =	vld [tilespmem:$0x2390]  }
0xd6: {  	v3 =	vadd.f32 v11, v3;
	v1 =	vadd.f32 v41, v1;
	v41 =	vld [tilespmem:$0x23A0]  }
0xd7: {  	v2 =	vadd.f32 v14, v2;
	v0 =	vadd.f32 v42, v0;
	v42 =	vld [tilespmem:$0x23B0]  }
0xd8: {  	v3 =	vadd.f32 v15, v3;
	v1 =	vadd.f32 v43, v1;
	v43 =	vld [tilespmem:$0x23C0]  }
0xd9: {  	v2 =	vadd.f32 v44, v2;
	v44 =	vld [tilespmem:$0x23D0];
	v0 =	vadd.f32 v46, v0  }
0xda: {  	v3 =	vadd.f32 v45, v3;
	v45 =	vld [tilespmem:$0x23E0];
	v1 =	vadd.f32 v47, v1  }
0xdb: {  	v2 =	vadd.f32 v48, v2;
	v46 =	vld [tilespmem:$0x23F0];
	v0 =	vadd.f32 v50, v0  }
0xdc: {  	v3 =	vadd.f32 v49, v3;
	v47 =	vld [tilespmem:$0x2400];
	v1 =	vadd.f32 v51, v1  }
0xdd: {  	v48 =	vld [tilespmem:$0x2410];
	v2 =	vadd.f32 v52, v2;
	v0 =	vadd.f32 v54, v0  }
0xde: {  	v49 =	vld [tilespmem:$0x2420];
	v3 =	vadd.f32 v53, v3;
	v1 =	vadd.f32 v55, v1  }
0xdf: {  	v50 =	vld [tilespmem:$0x2430];
	v2 =	vadd.f32 v56, v2;
	v0 =	vadd.f32 v58, v0  }
0xe0: {  	v51 =	vld [tilespmem:$0x2440];
	v3 =	vadd.f32 v57, v3;
	v1 =	vadd.f32 v59, v1  }
0xe1: {  	v52 =	vld [tilespmem:$0x2450];
	v2 =	vadd.f32 v60, v2;
	v0 =	vadd.f32 v62, v0  }
0xe2: {  	v53 =	vld [tilespmem:$0x2460];
	v3 =	vadd.f32 v61, v3;
	v1 =	vadd.f32 v63, v1  }
0xe3: {  	v54 =	vld [tilespmem:$0x2470];
	v2 =	vadd.f32 v37, v2;
	v0 =	vadd.f32 v39, v0  }
0xe4: {  	v55 =	vld [tilespmem:$0x2480];
	v3 =	vadd.f32 v38, v3;
	v1 =	vadd.f32 v40, v1  }
0xe5: {  	v56 =	vld [tilespmem:$0x2490];
	v2 =	vadd.f32 v41, v2;
	v0 =	vadd.f32 v43, v0  }
0xe6: {  	v57 =	vld [tilespmem:$0x24A0];
	v3 =	vadd.f32 v42, v3;
	v1 =	vadd.f32 v44, v1  }
0xe7: {  	v58 =	vld [tilespmem:$0x24B0];
	v2 =	vadd.f32 v45, v2;
	v0 =	vadd.f32 v47, v0  }
0xe8: {  	v59 =	vld [tilespmem:$0x24C0];
	v3 =	vadd.f32 v46, v3;
	v1 =	vadd.f32 v48, v1  }
0xe9: {  	v60 =	vld [tilespmem:$0x24D0];
	v2 =	vadd.f32 v49, v2;
	v0 =	vadd.f32 v51, v0  }
0xea: {  	v61 =	vld [tilespmem:$0x24E0];
	v3 =	vadd.f32 v50, v3;
	v1 =	vadd.f32 v52, v1  }
0xeb: {  	v62 =	vld [tilespmem:$0x24F0];
	v2 =	vadd.f32 v53, v2;
	v0 =	vadd.f32 v55, v0  }
0xec: {  	v3 =	vadd.f32 v54, v3;
	v1 =	vadd.f32 v56, v1  }
0xed: {  	v2 =	vadd.f32 v57, v2;
	v0 =	vadd.f32 v59, v0  }
0xee: {  	v3 =	vadd.f32 v58, v3;
	v1 =	vadd.f32 v60, v1  }
0xef: {  	v2 =	vadd.f32 v61, v2;
	[tilespmem:$0x2580] =	vst v0  }
0xf0: {  	v63 =	vadd.f32 v62, v3;
	[tilespmem:$0x2590] =	vst v1  }
0xf1: {  	[tilespmem:$0x25A0] =	vst v2  }
0xf2: {  	[tilespmem:$0x25B0] =	vst v63  }
0xf3: {  	[hbm4b:s1+s31] =	stream.linear.scatter [tilespmem:s9], [sflag:$0x1], $0x80, $0x38;
	[tilespmem:$0x2600] =	vst v63  }
0xf4: {  	_ =	swait.ge [sflag:s2], $0x80  }
0xf5: {  	[sflag:s2] =	ssyncset.done $0x0  }
0xf6: {  	[sflag:s2] =	ssyncadd.s32 $0xFFFFFF80  }
0xf7: {  	_ =	sfence.sel $0x180000  }
0xf8: {  	[bflag:$0x0] =	sbarrier.arrive $0xFFFF  }
0xf9: {  	_ =	strace $0x90000047  }
0xfa: {  	s0 =	sadd.s32 $0x100000, s0;
	[bflag:$0x2] =	sbarrier.arrive $0xFFFF  }
0xfb: {  	[sflag:s0] =	ssyncadd.tile.s32 $0x1;
	_ =	shalt  }
.Lfunc_end2:
_tile_overlayer_lowered:
.L_overlay_start_2:
0xfc: {  	(tag) =	ssettag $0x2  }
0xfd: {  	s0 =	rddreg [dreg:$0x0];
	s2 =	stileid.u32  }
0xfe: {  	s1 =	rddreg [dreg:$0x1];
	p0 =	sne.s32 s2, $0x0  }
0xff: {  	s3 =	rddreg [dreg:$0x2];
	[bflag:$0x3] =	sbarrier.arrive $0xFFFF;
	s2 =	simm.s32 @!p0 $0x1C01  }
0x100: {  	[timem:s3], [sflag:s2] =	dma.local @!p0 [hbm:s0], s1  }
0x101: {  	s0 =	simm.s32 @!p0 $0x1  }
0x102: {  	_ =	swait.ge @!p0 [sflag:s0], s1  }
0x103: {  	s1 =	ssub.s32 @!p0 $0x0, s1;
	[sflag:s0] =	ssyncset.done @!p0 $0x0  }
0x104: {  	[sflag:s0] =	ssyncadd.s32 @!p0 s1  }
0x105: {  	[bflag:$0x3] =	sbarrier.arrive $0xFFFF  }
0x106: {  	_ =	shalt  }

</sc_bundles>
